<compile_context>
chip_gen: v7x
topology: tpu7x:2x2x1
jax: 0.10.2.dev20260603
libtpu: 0.0.44.dev20260713+nightly
codegen_flags: <defaults>
</compile_context>

<pallas_src>
import functools

import jax
import jax.numpy as jnp
from jax import lax
from jax.experimental import pallas as pl
from jax.experimental.pallas import tpu as pltpu
from jax.experimental.pallas import tpu_sc as plsc

N_NODES = 10000
PAD_N = 10240
D = 128
N_EDGES = 320000
NW = 32
CHUNK = 128
CH = 80
GROUP = 8
NG = CH // GROUP
CH_TOT = (NG + 2) * GROUP
ROWS_PER_TILE = PAD_N // 16


def _zero16():
    return jnp.zeros((16,), jnp.float32)


def _deg_body(pages_hbm, deg_out, deg_spmem, idxbuf, ones, stage, sem):
    cid = lax.axis_index("c")
    sid = lax.axis_index("s")
    wid = cid * 16 + sid
    base = sid * ROWS_PER_TILE

    for j in range(CHUNK // 16):
        ones[pl.ds(j * 16, 16)] = jnp.full((16,), 1.0, jnp.float32)

    def zb(i, _):
        stage[pl.ds(i * 16, 16)] = _zero16()
        return 0
    lax.fori_loop(0, ROWS_PER_TILE // 16, zb, 0)

    pltpu.sync_copy(stage, deg_spmem.at[pl.ds(base, ROWS_PER_TILE)])
    pltpu.async_copy(pages_hbm.at[wid, pl.ds(0, 2 * CH)], idxbuf, sem).wait()
    plsc.subcore_barrier()

    def hist(ch, _):
        pltpu.sync_copy(ones, deg_spmem.at[idxbuf.at[2 * ch + 1]], add=True)
        return 0
    lax.fori_loop(0, CH, hist, 0)
    plsc.subcore_barrier()

    pltpu.sync_copy(deg_spmem.at[pl.ds(base, ROWS_PER_TILE)], stage)
    pltpu.sync_copy(stage, deg_out.at[cid, pl.ds(base, ROWS_PER_TILE)])


_deg_kernel = functools.partial(
    pl.kernel,
    out_type=jax.ShapeDtypeStruct((2, PAD_N), jnp.float32),
    mesh=plsc.VectorSubcoreMesh(core_axis_name="c", subcore_axis_name="s"),
    scratch_types=[
        pltpu.VMEM_SHARED((PAD_N,), jnp.float32),
        pltpu.VMEM((2 * CH, CHUNK), jnp.int32),
        pltpu.VMEM((CHUNK,), jnp.float32),
        pltpu.VMEM((ROWS_PER_TILE,), jnp.float32),
        pltpu.SemaphoreType.DMA,
    ],
)(_deg_body)


BLK = 1280


def _hprime_body(x_ref, w_ref, degp_ref, out_ref, dis_ref):
    deg = degp_ref[0, :] + degp_ref[1, :] + 1.0
    dis = lax.rsqrt(deg)
    h = jnp.dot(x_ref[...], w_ref[...], preferred_element_type=jnp.float32)
    out_ref[...] = h * dis[:, None]
    dis_ref[...] = jnp.broadcast_to(dis[:, None], (BLK, 2))


def _hprime(x, w, deg_parts):
    return pl.pallas_call(
        _hprime_body,
        grid=(PAD_N // BLK,),
        in_specs=[
            pl.BlockSpec((BLK, D), lambda i: (i, 0)),
            pl.BlockSpec((D, D), lambda i: (0, 0)),
            pl.BlockSpec((2, BLK), lambda i: (0, i)),
        ],
        out_specs=[
            pl.BlockSpec((BLK, D), lambda i: (i, 0)),
            pl.BlockSpec((BLK, 2), lambda i: (i, 0)),
        ],
        out_shape=[
            jax.ShapeDtypeStruct((PAD_N, D), jnp.float32),
            jax.ShapeDtypeStruct((PAD_N, 2), jnp.float32),
        ],
    )(x, w, deg_parts)


def _scatter_body(hp_hbm, pages_hbm, out_hbm,
                  acc_spmem, ibufa, ibufb, rows0, rows1,
                  isa, isb, gsem0, gsem1):
    cid = lax.axis_index("c")
    sid = lax.axis_index("s")
    wid = cid * 16 + sid
    base = sid * ROWS_PER_TILE
    rows = (rows0, rows1)
    gsem = (gsem0, gsem1)
    GR = 2 * GROUP

    def zb(r, _):
        for j in range(8):
            rows0[r, pl.ds(j * 16, 16)] = _zero16()
        return 0
    lax.fori_loop(0, CHUNK, zb, 0)
    for k in range(ROWS_PER_TILE // CHUNK):
        pltpu.sync_copy(rows0, acc_spmem.at[pl.ds(base + k * CHUNK, CHUNK)])

    def load_group(g, buf, sem):
        pltpu.async_copy(pages_hbm.at[wid, pl.ds(g * GR, GR)], buf, sem)

    load_group(0, ibufa, isa)
    pltpu.make_async_copy(pages_hbm.at[wid, pl.ds(0, GR)], ibufa, isa).wait()
    load_group(1, ibufb, isb)
    pltpu.async_copy(hp_hbm.at[ibufa.at[0]], rows0, gsem0)
    pltpu.async_copy(hp_hbm.at[ibufa.at[2]], rows1, gsem1)
    plsc.subcore_barrier()

    def do_group(buf, nbuf, nsem):
        for k in range(GROUP):
            r, gs = rows[k % 2], gsem[k % 2]
            pltpu.make_async_copy(hp_hbm.at[buf.at[0]], r, gs).wait()
            pltpu.sync_copy(r, acc_spmem.at[buf.at[2 * k + 1]], add=True)
            if k < GROUP - 2:
                pltpu.async_copy(hp_hbm.at[buf.at[2 * (k + 2)]], r, gs)
            else:
                if k == GROUP - 2:
                    pltpu.make_async_copy(
                        pages_hbm.at[wid, pl.ds(0, GR)], nbuf, nsem).wait()
                pltpu.async_copy(
                    hp_hbm.at[nbuf.at[2 * (k - (GROUP - 2))]], r, gs)

    def body(i, _):
        do_group(ibufa, ibufb, isb)
        load_group(2 * i + 2, ibufa, isa)
        do_group(ibufb, ibufa, isa)
        load_group(2 * i + 3, ibufb, isb)
        return 0
    lax.fori_loop(0, NG // 2, body, 0)

    pltpu.make_async_copy(hp_hbm.at[ibufa.at[0]], rows0, gsem0).wait()
    pltpu.make_async_copy(hp_hbm.at[ibufa.at[0]], rows1, gsem1).wait()
    pltpu.make_async_copy(pages_hbm.at[wid, pl.ds(0, GR)], ibufb, isb).wait()
    plsc.subcore_barrier()

    pltpu.sync_copy(acc_spmem.at[pl.ds(base, ROWS_PER_TILE)],
                    out_hbm.at[cid, pl.ds(base, ROWS_PER_TILE)])


_scatter_kernel = functools.partial(
    pl.kernel,
    out_type=jax.ShapeDtypeStruct((2, PAD_N, D), jnp.float32),
    mesh=plsc.VectorSubcoreMesh(core_axis_name="c", subcore_axis_name="s"),
    scratch_types=[
        pltpu.VMEM_SHARED((PAD_N, D), jnp.float32),
        pltpu.VMEM((2 * GROUP, CHUNK), jnp.int32),
        pltpu.VMEM((2 * GROUP, CHUNK), jnp.int32),
        pltpu.VMEM((CHUNK, D), jnp.float32),
        pltpu.VMEM((CHUNK, D), jnp.float32),
        pltpu.SemaphoreType.DMA,
        pltpu.SemaphoreType.DMA,
        pltpu.SemaphoreType.DMA,
        pltpu.SemaphoreType.DMA,
    ],
)(_scatter_body)


def _combine_body(parts_ref, hp_ref, dis_ref, b_ref, out_ref):
    dis = dis_ref[:, 0]
    acc = parts_ref[0] + parts_ref[1] + hp_ref[...]
    out_ref[...] = jnp.maximum(acc * dis[:, None] + b_ref[...], 0.0)


BLK2 = 2000


def _combine(parts, hp, dis2, b2d):
    return pl.pallas_call(
        _combine_body,
        grid=(N_NODES // BLK2,),
        in_specs=[
            pl.BlockSpec((2, BLK2, D), lambda i: (0, i, 0)),
            pl.BlockSpec((BLK2, D), lambda i: (i, 0)),
            pl.BlockSpec((BLK2, 2), lambda i: (i, 0)),
            pl.BlockSpec((1, D), lambda i: (0, 0)),
        ],
        out_specs=pl.BlockSpec((BLK2, D), lambda i: (i, 0)),
        out_shape=jax.ShapeDtypeStruct((N_NODES, D), jnp.float32),
    )(parts, hp, dis2, b2d)


@jax.jit
def kernel(x, edge_index, W, b):
    ei = edge_index.astype(jnp.int32)
    pairs = jnp.transpose(ei.reshape(2, N_EDGES // CHUNK, CHUNK),
                          (1, 0, 2)).reshape(2 * N_EDGES // CHUNK, CHUNK)
    patt = N_NODES + jnp.arange(CHUNK, dtype=jnp.int32)
    n_pad_rows = 2 * (NW * CH * CHUNK - N_EDGES) // CHUNK
    pad2d = jnp.broadcast_to(patt, (n_pad_rows, CHUNK))
    extra = jnp.broadcast_to(patt, (NW, 2 * (CH_TOT - CH), CHUNK))
    real = jnp.concatenate([pairs, pad2d]).reshape(NW, 2 * CH, CHUNK)
    pages = jnp.concatenate([real, extra], axis=1)

    deg_parts = _deg_kernel(pages)
    hp, dis2 = _hprime(x, W, deg_parts)
    parts = _scatter_kernel(hp, pages)
    return _combine(parts, hp, dis2, b.reshape(1, D))

# --- scband reference (transcript-rebuilt; emitter-appended) ---
"""Pipeline reference for scband-gcnblock-48086453846714 (READ-ONLY COPY).

The authoritative reference and input builder live on the scoring server;
editing this copy changes nothing except your own understanding.
"""

import jax, jax.numpy as jnp
import numpy as np

N_NODES = 10000
N_EDGES = 320000
D_IN = 128
D_OUT = 128

def setup_inputs(seed: int = 0) -> dict:
    key = jax.random.key(seed)
    k1, k2, k3, k4 = jax.random.split(key, 4)
    x = jax.random.normal(k1, (N_NODES, D_IN), dtype=jnp.float32)
    edge_index = jax.random.randint(k2, (2, N_EDGES), 0, N_NODES, dtype=jnp.int64)
    # GCNConv linear weight (glorot) and zero bias, per PyG defaults
    limit = float(np.sqrt(6.0 / (D_IN + D_OUT)))
    W = jax.random.uniform(k3, (D_IN, D_OUT), minval=-limit, maxval=limit, dtype=jnp.float32)
    b = jnp.zeros((D_OUT,), dtype=jnp.float32)
    return {"x": x, "edge_index": edge_index, "W": W, "b": b}

def reference(x, edge_index, W, b):
    N = x.shape[0]
    # --- GCNConv with add_self_loops=True, normalize=True (PyG semantics) ---
    src = edge_index[0]
    dst = edge_index[1]
    loop = jnp.arange(N, dtype=edge_index.dtype)
    src = jnp.concatenate([src, loop])
    dst = jnp.concatenate([dst, loop])
    # linear transform first
    h = x @ W
    # symmetric normalization: deg computed over dst (col) with unit edge weights
    deg = jnp.zeros((N,), dtype=jnp.float32).at[dst].add(1.0)
    deg_inv_sqrt = jnp.where(deg > 0, jax.lax.rsqrt(deg), 0.0)
    norm = deg_inv_sqrt[src] * deg_inv_sqrt[dst]
    # message = norm * h[src], aggregate sum at dst
    msg = h[src] * norm[:, None]
    out = jnp.zeros((N, h.shape[1]), dtype=h.dtype).at[dst].add(msg)
    out = out + b
    # GCNBlock applies ReLU
    return jax.nn.relu(out)

if __name__ == "__main__":
    import jax
    _d = setup_inputs()
    print(jax.jit(kernel)(*tuple(_d.values())))

</pallas_src>

<mosaic_0001>
#map = affine_map<(d0, d1) -> (0, 0, 0)>
#map1 = affine_map<(d0, d1) -> (0, 0)>
module attributes {stable_mosaic.version = 14 : i64} {
  func.func @_deg_body(%arg0: i32, %arg1: i32, %arg2: memref<32x192x128xi32, #tpu.memory_space<hbm>>, %arg3: memref<2x10240xf32, #tpu.memory_space<hbm>>, %arg4: memref<10240xf32, #tpu.memory_space<vmem_shared>>, %arg5: memref<160x128xi32, #tpu.memory_space<vmem>>, %arg6: memref<128xf32, #tpu.memory_space<vmem>>, %arg7: memref<640xf32, #tpu.memory_space<vmem>>, %arg8: memref<!tpu.dma_semaphore, #tpu.memory_space<semaphore_mem>>) attributes {dimension_semantics = [#tpu.dimension_semantics<core_parallel>, #tpu.dimension_semantics<subcore_parallel>], iteration_bounds = array<i64: 2, 16>, scalar_prefetch = 0 : i64, scratch_operands = 5 : i64, tpu.core_type = #tpu.core_type<sc_vector_subcore>, window_params = [{transform_indices = #map}, {transform_indices = #map1}]} {
    %mul3A = arith.constant 16 : i32
    %mul3A_0 = arith.muli %arg0, %mul3A : i32
    %add3A = arith.addi %mul3A_0, %arg1 : i32
    %mul3A_1 = arith.constant 640 : i32
    %mul3A_2 = arith.muli %arg1, %mul3A_1 : i32
    %broadcast_in_dim3A = arith.constant 1.000000e+00 : f32
    %broadcast_in_dim3A_3 = vector.broadcast %broadcast_in_dim3A : f32 to vector<16xf32>
    %swap3A = arith.constant 0 : index
    %swap3A_4 = tpu.vector_load %arg6[%swap3A] {strides = array<i32>} : memref<128xf32, #tpu.memory_space<vmem>>, vector<16xf32>,
    %swap3A_5 = vector.shape_cast %swap3A_4 : vector<16xf32> to vector<16xf32>
    %swap3A_6 = vector.shape_cast %broadcast_in_dim3A_3 : vector<16xf32> to vector<16xf32>
    tpu.vector_store %arg6[%swap3A], %swap3A_6 {strides = array<i32>} : memref<128xf32, #tpu.memory_space<vmem>>, vector<16xf32>,
    %broadcast_in_dim3A_7 = arith.constant 1.000000e+00 : f32
    %broadcast_in_dim3A_8 = vector.broadcast %broadcast_in_dim3A_7 : f32 to vector<16xf32>
    %swap3A_9 = arith.constant 16 : index
    %swap3A_10 = tpu.vector_load %arg6[%swap3A_9] {strides = array<i32>} : memref<128xf32, #tpu.memory_space<vmem>>, vector<16xf32>,
    %swap3A_11 = vector.shape_cast %swap3A_10 : vector<16xf32> to vector<16xf32>
    %swap3A_12 = vector.shape_cast %broadcast_in_dim3A_8 : vector<16xf32> to vector<16xf32>
    tpu.vector_store %arg6[%swap3A_9], %swap3A_12 {strides = array<i32>} : memref<128xf32, #tpu.memory_space<vmem>>, vector<16xf32>,
    %broadcast_in_dim3A_13 = arith.constant 1.000000e+00 : f32
    %broadcast_in_dim3A_14 = vector.broadcast %broadcast_in_dim3A_13 : f32 to vector<16xf32>
    %swap3A_15 = arith.constant 32 : index
    %swap3A_16 = tpu.vector_load %arg6[%swap3A_15] {strides = array<i32>} : memref<128xf32, #tpu.memory_space<vmem>>, vector<16xf32>,
    %swap3A_17 = vector.shape_cast %swap3A_16 : vector<16xf32> to vector<16xf32>
    %swap3A_18 = vector.shape_cast %broadcast_in_dim3A_14 : vector<16xf32> to vector<16xf32>
    tpu.vector_store %arg6[%swap3A_15], %swap3A_18 {strides = array<i32>} : memref<128xf32, #tpu.memory_space<vmem>>, vector<16xf32>,
    %broadcast_in_dim3A_19 = arith.constant 1.000000e+00 : f32
    %broadcast_in_dim3A_20 = vector.broadcast %broadcast_in_dim3A_19 : f32 to vector<16xf32>
    %swap3A_21 = arith.constant 48 : index
    %swap3A_22 = tpu.vector_load %arg6[%swap3A_21] {strides = array<i32>} : memref<128xf32, #tpu.memory_space<vmem>>, vector<16xf32>,
    %swap3A_23 = vector.shape_cast %swap3A_22 : vector<16xf32> to vector<16xf32>
    %swap3A_24 = vector.shape_cast %broadcast_in_dim3A_20 : vector<16xf32> to vector<16xf32>
    tpu.vector_store %arg6[%swap3A_21], %swap3A_24 {strides = array<i32>} : memref<128xf32, #tpu.memory_space<vmem>>, vector<16xf32>,
    %broadcast_in_dim3A_25 = arith.constant 1.000000e+00 : f32
    %broadcast_in_dim3A_26 = vector.broadcast %broadcast_in_dim3A_25 : f32 to vector<16xf32>
    %swap3A_27 = arith.constant 64 : index
    %swap3A_28 = tpu.vector_load %arg6[%swap3A_27] {strides = array<i32>} : memref<128xf32, #tpu.memory_space<vmem>>, vector<16xf32>,
    %swap3A_29 = vector.shape_cast %swap3A_28 : vector<16xf32> to vector<16xf32>
    %swap3A_30 = vector.shape_cast %broadcast_in_dim3A_26 : vector<16xf32> to vector<16xf32>
    tpu.vector_store %arg6[%swap3A_27], %swap3A_30 {strides = array<i32>} : memref<128xf32, #tpu.memory_space<vmem>>, vector<16xf32>,
    %broadcast_in_dim3A_31 = arith.constant 1.000000e+00 : f32
    %broadcast_in_dim3A_32 = vector.broadcast %broadcast_in_dim3A_31 : f32 to vector<16xf32>
    %swap3A_33 = arith.constant 80 : index
    %swap3A_34 = tpu.vector_load %arg6[%swap3A_33] {strides = array<i32>} : memref<128xf32, #tpu.memory_space<vmem>>, vector<16xf32>,
    %swap3A_35 = vector.shape_cast %swap3A_34 : vector<16xf32> to vector<16xf32>
    %swap3A_36 = vector.shape_cast %broadcast_in_dim3A_32 : vector<16xf32> to vector<16xf32>
    tpu.vector_store %arg6[%swap3A_33], %swap3A_36 {strides = array<i32>} : memref<128xf32, #tpu.memory_space<vmem>>, vector<16xf32>,
    %broadcast_in_dim3A_37 = arith.constant 1.000000e+00 : f32
    %broadcast_in_dim3A_38 = vector.broadcast %broadcast_in_dim3A_37 : f32 to vector<16xf32>
    %swap3A_39 = arith.constant 96 : index
    %swap3A_40 = tpu.vector_load %arg6[%swap3A_39] {strides = array<i32>} : memref<128xf32, #tpu.memory_space<vmem>>, vector<16xf32>,
    %swap3A_41 = vector.shape_cast %swap3A_40 : vector<16xf32> to vector<16xf32>
    %swap3A_42 = vector.shape_cast %broadcast_in_dim3A_38 : vector<16xf32> to vector<16xf32>
    tpu.vector_store %arg6[%swap3A_39], %swap3A_42 {strides = array<i32>} : memref<128xf32, #tpu.memory_space<vmem>>, vector<16xf32>,
    %broadcast_in_dim3A_43 = arith.constant 1.000000e+00 : f32
    %broadcast_in_dim3A_44 = vector.broadcast %broadcast_in_dim3A_43 : f32 to vector<16xf32>
    %swap3A_45 = arith.constant 112 : index
    %swap3A_46 = tpu.vector_load %arg6[%swap3A_45] {strides = array<i32>} : memref<128xf32, #tpu.memory_space<vmem>>, vector<16xf32>,
    %swap3A_47 = vector.shape_cast %swap3A_46 : vector<16xf32> to vector<16xf32>
    %swap3A_48 = vector.shape_cast %broadcast_in_dim3A_44 : vector<16xf32> to vector<16xf32>
    tpu.vector_store %arg6[%swap3A_45], %swap3A_48 {strides = array<i32>} : memref<128xf32, #tpu.memory_space<vmem>>, vector<16xf32>,
    %scan3A = arith.constant 0 : i32
    %scan3A_49 = arith.constant 0 : i32
    %scan3A_50 = arith.constant 40 : i32
    %scan3A_51 = arith.addi %scan3A_49, %scan3A_50 : i32
    %scan3A_52 = arith.constant 1 : i32
    %scan3A_53 = scf.for %scan3A_77 = %scan3A_49 to %scan3A_51 step %scan3A_52 iter_args(%scan3A_78 = %scan3A) -> (i32)  : i32 {
      %broadcast_in_dim3A_79 = arith.constant 0.000000e+00 : f32
      %broadcast_in_dim3A_80 = vector.broadcast %broadcast_in_dim3A_79 : f32 to vector<16xf32>
      %mul3A_81 = arith.constant 16 : i32
      %mul3A_82 = arith.muli %scan3A_77, %mul3A_81 : i32
      %swap3A_83 = arith.index_cast %mul3A_82 : i32 to index
      %swap3A_84 = tpu.vector_load %arg7[%swap3A_83] {strides = array<i32>} : memref<640xf32, #tpu.memory_space<vmem>>, vector<16xf32>,
      %swap3A_85 = vector.shape_cast %swap3A_84 : vector<16xf32> to vector<16xf32>
      %swap3A_86 = vector.shape_cast %broadcast_in_dim3A_80 : vector<16xf32> to vector<16xf32>
      tpu.vector_store %arg7[%swap3A_83], %swap3A_86 {strides = array<i32>} : memref<640xf32, #tpu.memory_space<vmem>>, vector<16xf32>,
      %scan3A_87 = arith.constant 0 : i32
      scf.yield %scan3A_87 : i32
    }
    %scan3A_54 = arith.constant 40 : i32
    "tpu.region"() ({
      %run_scoped3A = tpu.sem_alloc : memref<!tpu.dma_semaphore, #tpu.memory_space<semaphore_mem>>
      %dma_start3A_77 = tpu.memref_slice %arg4[%mul3A_2] : memref<10240xf32, #tpu.memory_space<vmem_shared>> -> memref<640xf32, #tpu.memory_space<vmem_shared>>
      %dma_start3A_78 = tpu.memref_slice %arg4[%mul3A_2] : memref<10240xf32, #tpu.memory_space<vmem_shared>> -> memref<640xf32, #tpu.memory_space<vmem_shared>>
      tpu.enqueue_dma source(%arg7 : memref<640xf32, #tpu.memory_space<vmem>>) target(%dma_start3A_78 : memref<640xf32, #tpu.memory_space<vmem_shared>>) target_semaphore(%run_scoped3A : memref<!tpu.dma_semaphore, #tpu.memory_space<semaphore_mem>>)
      %dma_wait3A_79 = tpu.memref_slice %arg4[%mul3A_2] : memref<10240xf32, #tpu.memory_space<vmem_shared>> -> memref<640xf32, #tpu.memory_space<vmem_shared>>
      %dma_wait3A_80 = tpu.memref_slice %arg4[%mul3A_2] : memref<10240xf32, #tpu.memory_space<vmem_shared>> -> memref<640xf32, #tpu.memory_space<vmem_shared>>
      tpu.wait_dma2 semaphore(%run_scoped3A : memref<!tpu.dma_semaphore, #tpu.memory_space<semaphore_mem>>) src(%arg7 : memref<640xf32, #tpu.memory_space<vmem>>) dst(%dma_wait3A_80 : memref<640xf32, #tpu.memory_space<vmem_shared>>)
      tpu.yield
    }) : () -> ()
    %dma_start3A = arith.constant 0 : i32
    %dma_start3A_55 = arith.constant 0 : i32
    %dma_start3A_56 = tpu.memref_slice %arg2[%add3A, %dma_start3A, %dma_start3A_55] : memref<32x192x128xi32, #tpu.memory_space<hbm>> -> memref<1x160x128xi32, #tpu.memory_space<hbm>>
    %dma_start3A_57 = tpu.memref_squeeze %dma_start3A_56 : memref<1x160x128xi32, #tpu.memory_space<hbm>> -> memref<160x128xi32, #tpu.memory_space<hbm>>
    %dma_start3A_58 = arith.constant 0 : i32
    %dma_start3A_59 = arith.constant 0 : i32
    %dma_start3A_60 = tpu.memref_slice %arg2[%add3A, %dma_start3A_58, %dma_start3A_59] : memref<32x192x128xi32, #tpu.memory_space<hbm>> -> memref<1x160x128xi32, #tpu.memory_space<hbm>>
    %dma_start3A_61 = tpu.memref_squeeze %dma_start3A_60 : memref<1x160x128xi32, #tpu.memory_space<hbm>> -> memref<160x128xi32, #tpu.memory_space<hbm>>
    tpu.enqueue_dma source(%dma_start3A_61 : memref<160x128xi32, #tpu.memory_space<hbm>>) target(%arg5 : memref<160x128xi32, #tpu.memory_space<vmem>>) target_semaphore(%arg8 : memref<!tpu.dma_semaphore, #tpu.memory_space<semaphore_mem>>)
    %dma_wait3A = arith.constant 0 : i32
    %dma_wait3A_62 = arith.constant 0 : i32
    %dma_wait3A_63 = tpu.memref_slice %arg2[%add3A, %dma_wait3A, %dma_wait3A_62] : memref<32x192x128xi32, #tpu.memory_space<hbm>> -> memref<1x160x128xi32, #tpu.memory_space<hbm>>
    %dma_wait3A_64 = tpu.memref_squeeze %dma_wait3A_63 : memref<1x160x128xi32, #tpu.memory_space<hbm>> -> memref<160x128xi32, #tpu.memory_space<hbm>>
    %dma_wait3A_65 = arith.constant 0 : i32
    %dma_wait3A_66 = arith.constant 0 : i32
    %dma_wait3A_67 = tpu.memref_slice %arg2[%add3A, %dma_wait3A_65, %dma_wait3A_66] : memref<32x192x128xi32, #tpu.memory_space<hbm>> -> memref<1x160x128xi32, #tpu.memory_space<hbm>>
    %dma_wait3A_68 = tpu.memref_squeeze %dma_wait3A_67 : memref<1x160x128xi32, #tpu.memory_space<hbm>> -> memref<160x128xi32, #tpu.memory_space<hbm>>
    tpu.wait_dma2 semaphore(%arg8 : memref<!tpu.dma_semaphore, #tpu.memory_space<semaphore_mem>>) src(%dma_wait3A_68 : memref<160x128xi32, #tpu.memory_space<hbm>>) dst(%arg5 : memref<160x128xi32, #tpu.memory_space<vmem>>)
    %barrier3A = arith.constant 0 : index
    tpu.barrier barrier_id(%barrier3A)
    %scan3A_69 = arith.constant 0 : i32
    %scan3A_70 = arith.constant 0 : i32
    %scan3A_71 = arith.constant 80 : i32
    %scan3A_72 = arith.addi %scan3A_70, %scan3A_71 : i32
    %scan3A_73 = arith.constant 1 : i32
    %scan3A_74 = scf.for %scan3A_77 = %scan3A_70 to %scan3A_72 step %scan3A_73 iter_args(%scan3A_78 = %scan3A_69) -> (i32)  : i32 {
      %mul3A_79 = arith.constant 2 : i32
      %mul3A_80 = arith.muli %mul3A_79, %scan3A_77 : i32
      %add3A_81 = arith.constant 1 : i32
      %add3A_82 = arith.addi %mul3A_80, %add3A_81 : i32
      "tpu.region"() ({
        %run_scoped3A = tpu.sem_alloc : memref<!tpu.dma_semaphore, #tpu.memory_space<semaphore_mem>>
        %dma_start3A_84 = arith.constant 0 : i32
        %dma_start3A_85 = tpu.memref_slice %arg5[%add3A_82, %dma_start3A_84] : memref<160x128xi32, #tpu.memory_space<vmem>> -> memref<1x128xi32, #tpu.memory_space<vmem>>
        %dma_start3A_86 = tpu.memref_squeeze %dma_start3A_85 : memref<1x128xi32, #tpu.memory_space<vmem>> -> memref<128xi32, #tpu.memory_space<vmem>>
        %dma_start3A_87 = arith.constant 0 : i32
        %dma_start3A_88 = tpu.memref_slice %arg4[%dma_start3A_87] : memref<10240xf32, #tpu.memory_space<vmem_shared>> -> memref<10240xf32, #tpu.memory_space<vmem_shared>>
        tpu.enqueue_indirect_dma source(%arg6 : memref<128xf32, #tpu.memory_space<vmem>>) target(%dma_start3A_88 : memref<10240xf32, #tpu.memory_space<vmem_shared>>) offsets(%dma_start3A_86 : memref<128xi32, #tpu.memory_space<vmem>>) semaphore(%run_scoped3A : memref<!tpu.dma_semaphore, #tpu.memory_space<semaphore_mem>>) {add = true}
        %dma_wait3A_89 = arith.constant 0 : i32
        %dma_wait3A_90 = tpu.memref_slice %arg5[%add3A_82, %dma_wait3A_89] : memref<160x128xi32, #tpu.memory_space<vmem>> -> memref<1x128xi32, #tpu.memory_space<vmem>>
        %dma_wait3A_91 = tpu.memref_squeeze %dma_wait3A_90 : memref<1x128xi32, #tpu.memory_space<vmem>> -> memref<128xi32, #tpu.memory_space<vmem>>
        %dma_wait3A_92 = arith.constant 0 : i32
        %dma_wait3A_93 = tpu.memref_slice %arg4[%dma_wait3A_92] : memref<10240xf32, #tpu.memory_space<vmem_shared>> -> memref<10240xf32, #tpu.memory_space<vmem_shared>>
        tpu.wait_indirect_dma semaphore(%run_scoped3A : memref<!tpu.dma_semaphore, #tpu.memory_space<semaphore_mem>>) src(%arg6 : memref<128xf32, #tpu.memory_space<vmem>>) dst(%dma_wait3A_93 : memref<10240xf32, #tpu.memory_space<vmem_shared>>)
        tpu.yield
      }) : () -> ()
      %scan3A_83 = arith.constant 0 : i32
      scf.yield %scan3A_83 : i32
    }
    %scan3A_75 = arith.constant 80 : i32
    %barrier3A_76 = arith.constant 0 : index
    tpu.barrier barrier_id(%barrier3A_76)
    "tpu.region"() ({
      %run_scoped3A = tpu.sem_alloc : memref<!tpu.dma_semaphore, #tpu.memory_space<semaphore_mem>>
      %dma_start3A_77 = tpu.memref_slice %arg4[%mul3A_2] : memref<10240xf32, #tpu.memory_space<vmem_shared>> -> memref<640xf32, #tpu.memory_space<vmem_shared>>
      %dma_start3A_78 = tpu.memref_slice %arg4[%mul3A_2] : memref<10240xf32, #tpu.memory_space<vmem_shared>> -> memref<640xf32, #tpu.memory_space<vmem_shared>>
      tpu.enqueue_dma source(%dma_start3A_78 : memref<640xf32, #tpu.memory_space<vmem_shared>>) target(%arg7 : memref<640xf32, #tpu.memory_space<vmem>>) target_semaphore(%run_scoped3A : memref<!tpu.dma_semaphore, #tpu.memory_space<semaphore_mem>>)
      %dma_wait3A_79 = tpu.memref_slice %arg4[%mul3A_2] : memref<10240xf32, #tpu.memory_space<vmem_shared>> -> memref<640xf32, #tpu.memory_space<vmem_shared>>
      %dma_wait3A_80 = tpu.memref_slice %arg4[%mul3A_2] : memref<10240xf32, #tpu.memory_space<vmem_shared>> -> memref<640xf32, #tpu.memory_space<vmem_shared>>
      tpu.wait_dma2 semaphore(%run_scoped3A : memref<!tpu.dma_semaphore, #tpu.memory_space<semaphore_mem>>) src(%dma_wait3A_80 : memref<640xf32, #tpu.memory_space<vmem_shared>>) dst(%arg7 : memref<640xf32, #tpu.memory_space<vmem>>)
      tpu.yield
    }) : () -> ()
    "tpu.region"() ({
      %run_scoped3A = tpu.sem_alloc : memref<!tpu.dma_semaphore, #tpu.memory_space<semaphore_mem>>
      %dma_start3A_77 = tpu.memref_slice %arg3[%arg0, %mul3A_2] : memref<2x10240xf32, #tpu.memory_space<hbm>> -> memref<1x640xf32, #tpu.memory_space<hbm>>
      %dma_start3A_78 = tpu.memref_squeeze %dma_start3A_77 : memref<1x640xf32, #tpu.memory_space<hbm>> -> memref<640xf32, #tpu.memory_space<hbm>>
      %dma_start3A_79 = tpu.memref_slice %arg3[%arg0, %mul3A_2] : memref<2x10240xf32, #tpu.memory_space<hbm>> -> memref<1x640xf32, #tpu.memory_space<hbm>>
      %dma_start3A_80 = tpu.memref_squeeze %dma_start3A_79 : memref<1x640xf32, #tpu.memory_space<hbm>> -> memref<640xf32, #tpu.memory_space<hbm>>
      tpu.enqueue_dma source(%arg7 : memref<640xf32, #tpu.memory_space<vmem>>) target(%dma_start3A_80 : memref<640xf32, #tpu.memory_space<hbm>>) target_semaphore(%run_scoped3A : memref<!tpu.dma_semaphore, #tpu.memory_space<semaphore_mem>>)
      %dma_wait3A_81 = tpu.memref_slice %arg3[%arg0, %mul3A_2] : memref<2x10240xf32, #tpu.memory_space<hbm>> -> memref<1x640xf32, #tpu.memory_space<hbm>>
      %dma_wait3A_82 = tpu.memref_squeeze %dma_wait3A_81 : memref<1x640xf32, #tpu.memory_space<hbm>> -> memref<640xf32, #tpu.memory_space<hbm>>
      %dma_wait3A_83 = tpu.memref_slice %arg3[%arg0, %mul3A_2] : memref<2x10240xf32, #tpu.memory_space<hbm>> -> memref<1x640xf32, #tpu.memory_space<hbm>>
      %dma_wait3A_84 = tpu.memref_squeeze %dma_wait3A_83 : memref<1x640xf32, #tpu.memory_space<hbm>> -> memref<640xf32, #tpu.memory_space<hbm>>
      tpu.wait_dma2 semaphore(%run_scoped3A : memref<!tpu.dma_semaphore, #tpu.memory_space<semaphore_mem>>) src(%arg7 : memref<640xf32, #tpu.memory_space<vmem>>) dst(%dma_wait3A_84 : memref<640xf32, #tpu.memory_space<hbm>>)
      tpu.yield
    }) : () -> ()
    return
  }
}

#map = affine_map<(d0, d1) -> (0, 0)>
#map1 = affine_map<(d0, d1) -> (0, 0, 0)>
module attributes {stable_mosaic.version = 14 : i64} {
  func.func @_scatter_body(%arg0: i32, %arg1: i32, %arg2: memref<10240x128xf32, #tpu.memory_space<hbm>>, %arg3: memref<32x192x128xi32, #tpu.memory_space<hbm>>, %arg4: memref<2x10240x128xf32, #tpu.memory_space<hbm>>, %arg5: memref<10240x128xf32, #tpu.memory_space<vmem_shared>>, %arg6: memref<16x128xi32, #tpu.memory_space<vmem>>, %arg7: memref<16x128xi32, #tpu.memory_space<vmem>>, %arg8: memref<128x128xf32, #tpu.memory_space<vmem>>, %arg9: memref<128x128xf32, #tpu.memory_space<vmem>>, %arg10: memref<!tpu.dma_semaphore, #tpu.memory_space<semaphore_mem>>, %arg11: memref<!tpu.dma_semaphore, #tpu.memory_space<semaphore_mem>>, %arg12: memref<!tpu.dma_semaphore, #tpu.memory_space<semaphore_mem>>, %arg13: memref<!tpu.dma_semaphore, #tpu.memory_space<semaphore_mem>>) attributes {dimension_semantics = [#tpu.dimension_semantics<core_parallel>, #tpu.dimension_semantics<subcore_parallel>], iteration_bounds = array<i64: 2, 16>, scalar_prefetch = 0 : i64, scratch_operands = 9 : i64, tpu.core_type = #tpu.core_type<sc_vector_subcore>, window_params = [{transform_indices = #map}, {transform_indices = #map1}, {transform_indices = #map1}]} {
    %mul3A = arith.constant 16 : i32
    %mul3A_0 = arith.muli %arg0, %mul3A : i32
    %add3A = arith.addi %mul3A_0, %arg1 : i32
    %mul3A_1 = arith.constant 640 : i32
    %mul3A_2 = arith.muli %arg1, %mul3A_1 : i32
    %scan3A = arith.constant 0 : i32
    %scan3A_3 = arith.constant 0 : i32
    %scan3A_4 = arith.constant 128 : i32
    %scan3A_5 = arith.addi %scan3A_3, %scan3A_4 : i32
    %scan3A_6 = arith.constant 1 : i32
    %scan3A_7 = scf.for %scan3A_85 = %scan3A_3 to %scan3A_5 step %scan3A_6 iter_args(%scan3A_86 = %scan3A) -> (i32)  : i32 {
      %broadcast_in_dim3A = arith.constant 0.000000e+00 : f32
      %broadcast_in_dim3A_87 = vector.broadcast %broadcast_in_dim3A : f32 to vector<16xf32>
      %swap3A = arith.index_cast %scan3A_85 : i32 to index
      %swap3A_88 = arith.constant 0 : index
      %swap3A_89 = tpu.vector_load %arg8[%swap3A, %swap3A_88] {strides = array<i32>} : memref<128x128xf32, #tpu.memory_space<vmem>>, vector<1x16xf32>,
      %swap3A_90 = vector.shape_cast %swap3A_89 : vector<1x16xf32> to vector<16xf32>
      %swap3A_91 = vector.shape_cast %broadcast_in_dim3A_87 : vector<16xf32> to vector<1x16xf32>
      tpu.vector_store %arg8[%swap3A, %swap3A_88], %swap3A_91 {strides = array<i32>} : memref<128x128xf32, #tpu.memory_space<vmem>>, vector<1x16xf32>,
      %broadcast_in_dim3A_92 = arith.constant 0.000000e+00 : f32
      %broadcast_in_dim3A_93 = vector.broadcast %broadcast_in_dim3A_92 : f32 to vector<16xf32>
      %swap3A_94 = arith.index_cast %scan3A_85 : i32 to index
      %swap3A_95 = arith.constant 16 : index
      %swap3A_96 = tpu.vector_load %arg8[%swap3A_94, %swap3A_95] {strides = array<i32>} : memref<128x128xf32, #tpu.memory_space<vmem>>, vector<1x16xf32>,
      %swap3A_97 = vector.shape_cast %swap3A_96 : vector<1x16xf32> to vector<16xf32>
      %swap3A_98 = vector.shape_cast %broadcast_in_dim3A_93 : vector<16xf32> to vector<1x16xf32>
      tpu.vector_store %arg8[%swap3A_94, %swap3A_95], %swap3A_98 {strides = array<i32>} : memref<128x128xf32, #tpu.memory_space<vmem>>, vector<1x16xf32>,
      %broadcast_in_dim3A_99 = arith.constant 0.000000e+00 : f32
      %broadcast_in_dim3A_100 = vector.broadcast %broadcast_in_dim3A_99 : f32 to vector<16xf32>
      %swap3A_101 = arith.index_cast %scan3A_85 : i32 to index
      %swap3A_102 = arith.constant 32 : index
      %swap3A_103 = tpu.vector_load %arg8[%swap3A_101, %swap3A_102] {strides = array<i32>} : memref<128x128xf32, #tpu.memory_space<vmem>>, vector<1x16xf32>,
      %swap3A_104 = vector.shape_cast %swap3A_103 : vector<1x16xf32> to vector<16xf32>
      %swap3A_105 = vector.shape_cast %broadcast_in_dim3A_100 : vector<16xf32> to vector<1x16xf32>
      tpu.vector_store %arg8[%swap3A_101, %swap3A_102], %swap3A_105 {strides = array<i32>} : memref<128x128xf32, #tpu.memory_space<vmem>>, vector<1x16xf32>,
      %broadcast_in_dim3A_106 = arith.constant 0.000000e+00 : f32
      %broadcast_in_dim3A_107 = vector.broadcast %broadcast_in_dim3A_106 : f32 to vector<16xf32>
      %swap3A_108 = arith.index_cast %scan3A_85 : i32 to index
      %swap3A_109 = arith.constant 48 : index
      %swap3A_110 = tpu.vector_load %arg8[%swap3A_108, %swap3A_109] {strides = array<i32>} : memref<128x128xf32, #tpu.memory_space<vmem>>, vector<1x16xf32>,
      %swap3A_111 = vector.shape_cast %swap3A_110 : vector<1x16xf32> to vector<16xf32>
      %swap3A_112 = vector.shape_cast %broadcast_in_dim3A_107 : vector<16xf32> to vector<1x16xf32>
      tpu.vector_store %arg8[%swap3A_108, %swap3A_109], %swap3A_112 {strides = array<i32>} : memref<128x128xf32, #tpu.memory_space<vmem>>, vector<1x16xf32>,
      %broadcast_in_dim3A_113 = arith.constant 0.000000e+00 : f32
      %broadcast_in_dim3A_114 = vector.broadcast %broadcast_in_dim3A_113 : f32 to vector<16xf32>
      %swap3A_115 = arith.index_cast %scan3A_85 : i32 to index
      %swap3A_116 = arith.constant 64 : index
      %swap3A_117 = tpu.vector_load %arg8[%swap3A_115, %swap3A_116] {strides = array<i32>} : memref<128x128xf32, #tpu.memory_space<vmem>>, vector<1x16xf32>,
      %swap3A_118 = vector.shape_cast %swap3A_117 : vector<1x16xf32> to vector<16xf32>
      %swap3A_119 = vector.shape_cast %broadcast_in_dim3A_114 : vector<16xf32> to vector<1x16xf32>
      tpu.vector_store %arg8[%swap3A_115, %swap3A_116], %swap3A_119 {strides = array<i32>} : memref<128x128xf32, #tpu.memory_space<vmem>>, vector<1x16xf32>,
      %broadcast_in_dim3A_120 = arith.constant 0.000000e+00 : f32
      %broadcast_in_dim3A_121 = vector.broadcast %broadcast_in_dim3A_120 : f32 to vector<16xf32>
      %swap3A_122 = arith.index_cast %scan3A_85 : i32 to index
      %swap3A_123 = arith.constant 80 : index
      %swap3A_124 = tpu.vector_load %arg8[%swap3A_122, %swap3A_123] {strides = array<i32>} : memref<128x128xf32, #tpu.memory_space<vmem>>, vector<1x16xf32>,
      %swap3A_125 = vector.shape_cast %swap3A_124 : vector<1x16xf32> to vector<16xf32>
      %swap3A_126 = vector.shape_cast %broadcast_in_dim3A_121 : vector<16xf32> to vector<1x16xf32>
      tpu.vector_store %arg8[%swap3A_122, %swap3A_123], %swap3A_126 {strides = array<i32>} : memref<128x128xf32, #tpu.memory_space<vmem>>, vector<1x16xf32>,
      %broadcast_in_dim3A_127 = arith.constant 0.000000e+00 : f32
      %broadcast_in_dim3A_128 = vector.broadcast %broadcast_in_dim3A_127 : f32 to vector<16xf32>
      %swap3A_129 = arith.index_cast %scan3A_85 : i32 to index
      %swap3A_130 = arith.constant 96 : index
      %swap3A_131 = tpu.vector_load %arg8[%swap3A_129, %swap3A_130] {strides = array<i32>} : memref<128x128xf32, #tpu.memory_space<vmem>>, vector<1x16xf32>,
      %swap3A_132 = vector.shape_cast %swap3A_131 : vector<1x16xf32> to vector<16xf32>
      %swap3A_133 = vector.shape_cast %broadcast_in_dim3A_128 : vector<16xf32> to vector<1x16xf32>
      tpu.vector_store %arg8[%swap3A_129, %swap3A_130], %swap3A_133 {strides = array<i32>} : memref<128x128xf32, #tpu.memory_space<vmem>>, vector<1x16xf32>,
      %broadcast_in_dim3A_134 = arith.constant 0.000000e+00 : f32
      %broadcast_in_dim3A_135 = vector.broadcast %broadcast_in_dim3A_134 : f32 to vector<16xf32>
      %swap3A_136 = arith.index_cast %scan3A_85 : i32 to index
      %swap3A_137 = arith.constant 112 : index
      %swap3A_138 = tpu.vector_load %arg8[%swap3A_136, %swap3A_137] {strides = array<i32>} : memref<128x128xf32, #tpu.memory_space<vmem>>, vector<1x16xf32>,
      %swap3A_139 = vector.shape_cast %swap3A_138 : vector<1x16xf32> to vector<16xf32>
      %swap3A_140 = vector.shape_cast %broadcast_in_dim3A_135 : vector<16xf32> to vector<1x16xf32>
      tpu.vector_store %arg8[%swap3A_136, %swap3A_137], %swap3A_140 {strides = array<i32>} : memref<128x128xf32, #tpu.memory_space<vmem>>, vector<1x16xf32>,
      %scan3A_141 = arith.constant 0 : i32
      scf.yield %scan3A_141 : i32
    }
    %scan3A_8 = arith.constant 128 : i32
    %add3A_9 = arith.constant 0 : i32
    %add3A_10 = arith.addi %mul3A_2, %add3A_9 : i32
    "tpu.region"() ({
      %run_scoped3A = tpu.sem_alloc : memref<!tpu.dma_semaphore, #tpu.memory_space<semaphore_mem>>
      %dma_start3A_85 = arith.constant 0 : i32
      %dma_start3A_86 = tpu.memref_slice %arg5[%add3A_10, %dma_start3A_85] : memref<10240x128xf32, #tpu.memory_space<vmem_shared>> -> memref<128x128xf32, #tpu.memory_space<vmem_shared>>
      %dma_start3A_87 = arith.constant 0 : i32
      %dma_start3A_88 = tpu.memref_slice %arg5[%add3A_10, %dma_start3A_87] : memref<10240x128xf32, #tpu.memory_space<vmem_shared>> -> memref<128x128xf32, #tpu.memory_space<vmem_shared>>
      tpu.enqueue_dma source(%arg8 : memref<128x128xf32, #tpu.memory_space<vmem>>) target(%dma_start3A_88 : memref<128x128xf32, #tpu.memory_space<vmem_shared>>) target_semaphore(%run_scoped3A : memref<!tpu.dma_semaphore, #tpu.memory_space<semaphore_mem>>)
      %dma_wait3A_89 = arith.constant 0 : i32
      %dma_wait3A_90 = tpu.memref_slice %arg5[%add3A_10, %dma_wait3A_89] : memref<10240x128xf32, #tpu.memory_space<vmem_shared>> -> memref<128x128xf32, #tpu.memory_space<vmem_shared>>
      %dma_wait3A_91 = arith.constant 0 : i32
      %dma_wait3A_92 = tpu.memref_slice %arg5[%add3A_10, %dma_wait3A_91] : memref<10240x128xf32, #tpu.memory_space<vmem_shared>> -> memref<128x128xf32, #tpu.memory_space<vmem_shared>>
      tpu.wait_dma2 semaphore(%run_scoped3A : memref<!tpu.dma_semaphore, #tpu.memory_space<semaphore_mem>>) src(%arg8 : memref<128x128xf32, #tpu.memory_space<vmem>>) dst(%dma_wait3A_92 : memref<128x128xf32, #tpu.memory_space<vmem_shared>>)
      tpu.yield
    }) : () -> ()
    %add3A_11 = arith.constant 128 : i32
    %add3A_12 = arith.addi %mul3A_2, %add3A_11 : i32
    "tpu.region"() ({
      %run_scoped3A = tpu.sem_alloc : memref<!tpu.dma_semaphore, #tpu.memory_space<semaphore_mem>>
      %dma_start3A_85 = arith.constant 0 : i32
      %dma_start3A_86 = tpu.memref_slice %arg5[%add3A_12, %dma_start3A_85] : memref<10240x128xf32, #tpu.memory_space<vmem_shared>> -> memref<128x128xf32, #tpu.memory_space<vmem_shared>>
      %dma_start3A_87 = arith.constant 0 : i32
      %dma_start3A_88 = tpu.memref_slice %arg5[%add3A_12, %dma_start3A_87] : memref<10240x128xf32, #tpu.memory_space<vmem_shared>> -> memref<128x128xf32, #tpu.memory_space<vmem_shared>>
      tpu.enqueue_dma source(%arg8 : memref<128x128xf32, #tpu.memory_space<vmem>>) target(%dma_start3A_88 : memref<128x128xf32, #tpu.memory_space<vmem_shared>>) target_semaphore(%run_scoped3A : memref<!tpu.dma_semaphore, #tpu.memory_space<semaphore_mem>>)
      %dma_wait3A_89 = arith.constant 0 : i32
      %dma_wait3A_90 = tpu.memref_slice %arg5[%add3A_12, %dma_wait3A_89] : memref<10240x128xf32, #tpu.memory_space<vmem_shared>> -> memref<128x128xf32, #tpu.memory_space<vmem_shared>>
      %dma_wait3A_91 = arith.constant 0 : i32
      %dma_wait3A_92 = tpu.memref_slice %arg5[%add3A_12, %dma_wait3A_91] : memref<10240x128xf32, #tpu.memory_space<vmem_shared>> -> memref<128x128xf32, #tpu.memory_space<vmem_shared>>
      tpu.wait_dma2 semaphore(%run_scoped3A : memref<!tpu.dma_semaphore, #tpu.memory_space<semaphore_mem>>) src(%arg8 : memref<128x128xf32, #tpu.memory_space<vmem>>) dst(%dma_wait3A_92 : memref<128x128xf32, #tpu.memory_space<vmem_shared>>)
      tpu.yield
    }) : () -> ()
    %add3A_13 = arith.constant 256 : i32
    %add3A_14 = arith.addi %mul3A_2, %add3A_13 : i32
    "tpu.region"() ({
      %run_scoped3A = tpu.sem_alloc : memref<!tpu.dma_semaphore, #tpu.memory_space<semaphore_mem>>
      %dma_start3A_85 = arith.constant 0 : i32
      %dma_start3A_86 = tpu.memref_slice %arg5[%add3A_14, %dma_start3A_85] : memref<10240x128xf32, #tpu.memory_space<vmem_shared>> -> memref<128x128xf32, #tpu.memory_space<vmem_shared>>
      %dma_start3A_87 = arith.constant 0 : i32
      %dma_start3A_88 = tpu.memref_slice %arg5[%add3A_14, %dma_start3A_87] : memref<10240x128xf32, #tpu.memory_space<vmem_shared>> -> memref<128x128xf32, #tpu.memory_space<vmem_shared>>
      tpu.enqueue_dma source(%arg8 : memref<128x128xf32, #tpu.memory_space<vmem>>) target(%dma_start3A_88 : memref<128x128xf32, #tpu.memory_space<vmem_shared>>) target_semaphore(%run_scoped3A : memref<!tpu.dma_semaphore, #tpu.memory_space<semaphore_mem>>)
      %dma_wait3A_89 = arith.constant 0 : i32
      %dma_wait3A_90 = tpu.memref_slice %arg5[%add3A_14, %dma_wait3A_89] : memref<10240x128xf32, #tpu.memory_space<vmem_shared>> -> memref<128x128xf32, #tpu.memory_space<vmem_shared>>
      %dma_wait3A_91 = arith.constant 0 : i32
      %dma_wait3A_92 = tpu.memref_slice %arg5[%add3A_14, %dma_wait3A_91] : memref<10240x128xf32, #tpu.memory_space<vmem_shared>> -> memref<128x128xf32, #tpu.memory_space<vmem_shared>>
      tpu.wait_dma2 semaphore(%run_scoped3A : memref<!tpu.dma_semaphore, #tpu.memory_space<semaphore_mem>>) src(%arg8 : memref<128x128xf32, #tpu.memory_space<vmem>>) dst(%dma_wait3A_92 : memref<128x128xf32, #tpu.memory_space<vmem_shared>>)
      tpu.yield
    }) : () -> ()
    %add3A_15 = arith.constant 384 : i32
    %add3A_16 = arith.addi %mul3A_2, %add3A_15 : i32
    "tpu.region"() ({
      %run_scoped3A = tpu.sem_alloc : memref<!tpu.dma_semaphore, #tpu.memory_space<semaphore_mem>>
      %dma_start3A_85 = arith.constant 0 : i32
      %dma_start3A_86 = tpu.memref_slice %arg5[%add3A_16, %dma_start3A_85] : memref<10240x128xf32, #tpu.memory_space<vmem_shared>> -> memref<128x128xf32, #tpu.memory_space<vmem_shared>>
      %dma_start3A_87 = arith.constant 0 : i32
      %dma_start3A_88 = tpu.memref_slice %arg5[%add3A_16, %dma_start3A_87] : memref<10240x128xf32, #tpu.memory_space<vmem_shared>> -> memref<128x128xf32, #tpu.memory_space<vmem_shared>>
      tpu.enqueue_dma source(%arg8 : memref<128x128xf32, #tpu.memory_space<vmem>>) target(%dma_start3A_88 : memref<128x128xf32, #tpu.memory_space<vmem_shared>>) target_semaphore(%run_scoped3A : memref<!tpu.dma_semaphore, #tpu.memory_space<semaphore_mem>>)
      %dma_wait3A_89 = arith.constant 0 : i32
      %dma_wait3A_90 = tpu.memref_slice %arg5[%add3A_16, %dma_wait3A_89] : memref<10240x128xf32, #tpu.memory_space<vmem_shared>> -> memref<128x128xf32, #tpu.memory_space<vmem_shared>>
      %dma_wait3A_91 = arith.constant 0 : i32
      %dma_wait3A_92 = tpu.memref_slice %arg5[%add3A_16, %dma_wait3A_91] : memref<10240x128xf32, #tpu.memory_space<vmem_shared>> -> memref<128x128xf32, #tpu.memory_space<vmem_shared>>
      tpu.wait_dma2 semaphore(%run_scoped3A : memref<!tpu.dma_semaphore, #tpu.memory_space<semaphore_mem>>) src(%arg8 : memref<128x128xf32, #tpu.memory_space<vmem>>) dst(%dma_wait3A_92 : memref<128x128xf32, #tpu.memory_space<vmem_shared>>)
      tpu.yield
    }) : () -> ()
    %add3A_17 = arith.constant 512 : i32
    %add3A_18 = arith.addi %mul3A_2, %add3A_17 : i32
    "tpu.region"() ({
      %run_scoped3A = tpu.sem_alloc : memref<!tpu.dma_semaphore, #tpu.memory_space<semaphore_mem>>
      %dma_start3A_85 = arith.constant 0 : i32
      %dma_start3A_86 = tpu.memref_slice %arg5[%add3A_18, %dma_start3A_85] : memref<10240x128xf32, #tpu.memory_space<vmem_shared>> -> memref<128x128xf32, #tpu.memory_space<vmem_shared>>
      %dma_start3A_87 = arith.constant 0 : i32
      %dma_start3A_88 = tpu.memref_slice %arg5[%add3A_18, %dma_start3A_87] : memref<10240x128xf32, #tpu.memory_space<vmem_shared>> -> memref<128x128xf32, #tpu.memory_space<vmem_shared>>
      tpu.enqueue_dma source(%arg8 : memref<128x128xf32, #tpu.memory_space<vmem>>) target(%dma_start3A_88 : memref<128x128xf32, #tpu.memory_space<vmem_shared>>) target_semaphore(%run_scoped3A : memref<!tpu.dma_semaphore, #tpu.memory_space<semaphore_mem>>)
      %dma_wait3A_89 = arith.constant 0 : i32
      %dma_wait3A_90 = tpu.memref_slice %arg5[%add3A_18, %dma_wait3A_89] : memref<10240x128xf32, #tpu.memory_space<vmem_shared>> -> memref<128x128xf32, #tpu.memory_space<vmem_shared>>
      %dma_wait3A_91 = arith.constant 0 : i32
      %dma_wait3A_92 = tpu.memref_slice %arg5[%add3A_18, %dma_wait3A_91] : memref<10240x128xf32, #tpu.memory_space<vmem_shared>> -> memref<128x128xf32, #tpu.memory_space<vmem_shared>>
      tpu.wait_dma2 semaphore(%run_scoped3A : memref<!tpu.dma_semaphore, #tpu.memory_space<semaphore_mem>>) src(%arg8 : memref<128x128xf32, #tpu.memory_space<vmem>>) dst(%dma_wait3A_92 : memref<128x128xf32, #tpu.memory_space<vmem_shared>>)
      tpu.yield
    }) : () -> ()
    %dma_start3A = arith.constant 0 : i32
    %dma_start3A_19 = arith.constant 0 : i32
    %dma_start3A_20 = tpu.memref_slice %arg3[%add3A, %dma_start3A, %dma_start3A_19] : memref<32x192x128xi32, #tpu.memory_space<hbm>> -> memref<1x16x128xi32, #tpu.memory_space<hbm>>
    %dma_start3A_21 = tpu.memref_squeeze %dma_start3A_20 : memref<1x16x128xi32, #tpu.memory_space<hbm>> -> memref<16x128xi32, #tpu.memory_space<hbm>>
    %dma_start3A_22 = arith.constant 0 : i32
    %dma_start3A_23 = arith.constant 0 : i32
    %dma_start3A_24 = tpu.memref_slice %arg3[%add3A, %dma_start3A_22, %dma_start3A_23] : memref<32x192x128xi32, #tpu.memory_space<hbm>> -> memref<1x16x128xi32, #tpu.memory_space<hbm>>
    %dma_start3A_25 = tpu.memref_squeeze %dma_start3A_24 : memref<1x16x128xi32, #tpu.memory_space<hbm>> -> memref<16x128xi32, #tpu.memory_space<hbm>>
    tpu.enqueue_dma source(%dma_start3A_25 : memref<16x128xi32, #tpu.memory_space<hbm>>) target(%arg6 : memref<16x128xi32, #tpu.memory_space<vmem>>) target_semaphore(%arg10 : memref<!tpu.dma_semaphore, #tpu.memory_space<semaphore_mem>>)
    %dma_wait3A = arith.constant 0 : i32
    %dma_wait3A_26 = arith.constant 0 : i32
    %dma_wait3A_27 = tpu.memref_slice %arg3[%add3A, %dma_wait3A, %dma_wait3A_26] : memref<32x192x128xi32, #tpu.memory_space<hbm>> -> memref<1x16x128xi32, #tpu.memory_space<hbm>>
    %dma_wait3A_28 = tpu.memref_squeeze %dma_wait3A_27 : memref<1x16x128xi32, #tpu.memory_space<hbm>> -> memref<16x128xi32, #tpu.memory_space<hbm>>
    %dma_wait3A_29 = arith.constant 0 : i32
    %dma_wait3A_30 = arith.constant 0 : i32
    %dma_wait3A_31 = tpu.memref_slice %arg3[%add3A, %dma_wait3A_29, %dma_wait3A_30] : memref<32x192x128xi32, #tpu.memory_space<hbm>> -> memref<1x16x128xi32, #tpu.memory_space<hbm>>
    %dma_wait3A_32 = tpu.memref_squeeze %dma_wait3A_31 : memref<1x16x128xi32, #tpu.memory_space<hbm>> -> memref<16x128xi32, #tpu.memory_space<hbm>>
    tpu.wait_dma2 semaphore(%arg10 : memref<!tpu.dma_semaphore, #tpu.memory_space<semaphore_mem>>) src(%dma_wait3A_32 : memref<16x128xi32, #tpu.memory_space<hbm>>) dst(%arg6 : memref<16x128xi32, #tpu.memory_space<vmem>>)
    %dma_start3A_33 = arith.constant 16 : i32
    %dma_start3A_34 = arith.constant 0 : i32
    %dma_start3A_35 = tpu.memref_slice %arg3[%add3A, %dma_start3A_33, %dma_start3A_34] : memref<32x192x128xi32, #tpu.memory_space<hbm>> -> memref<1x16x128xi32, #tpu.memory_space<hbm>>
    %dma_start3A_36 = tpu.memref_squeeze %dma_start3A_35 : memref<1x16x128xi32, #tpu.memory_space<hbm>> -> memref<16x128xi32, #tpu.memory_space<hbm>>
    %dma_start3A_37 = arith.constant 16 : i32
    %dma_start3A_38 = arith.constant 0 : i32
    %dma_start3A_39 = tpu.memref_slice %arg3[%add3A, %dma_start3A_37, %dma_start3A_38] : memref<32x192x128xi32, #tpu.memory_space<hbm>> -> memref<1x16x128xi32, #tpu.memory_space<hbm>>
    %dma_start3A_40 = tpu.memref_squeeze %dma_start3A_39 : memref<1x16x128xi32, #tpu.memory_space<hbm>> -> memref<16x128xi32, #tpu.memory_space<hbm>>
    tpu.enqueue_dma source(%dma_start3A_40 : memref<16x128xi32, #tpu.memory_space<hbm>>) target(%arg7 : memref<16x128xi32, #tpu.memory_space<vmem>>) target_semaphore(%arg11 : memref<!tpu.dma_semaphore, #tpu.memory_space<semaphore_mem>>)
    %dma_start3A_41 = arith.constant 0 : i32
    %dma_start3A_42 = arith.constant 0 : i32
    %dma_start3A_43 = tpu.memref_slice %arg6[%dma_start3A_41, %dma_start3A_42] : memref<16x128xi32, #tpu.memory_space<vmem>> -> memref<1x128xi32, #tpu.memory_space<vmem>>
    %dma_start3A_44 = tpu.memref_squeeze %dma_start3A_43 : memref<1x128xi32, #tpu.memory_space<vmem>> -> memref<128xi32, #tpu.memory_space<vmem>>
    %dma_start3A_45 = arith.constant 0 : i32
    %dma_start3A_46 = arith.constant 0 : i32
    %dma_start3A_47 = tpu.memref_slice %arg2[%dma_start3A_45, %dma_start3A_46] : memref<10240x128xf32, #tpu.memory_space<hbm>> -> memref<10240x128xf32, #tpu.memory_space<hbm>>
    tpu.enqueue_indirect_dma source(%dma_start3A_47 : memref<10240x128xf32, #tpu.memory_space<hbm>>) target(%arg8 : memref<128x128xf32, #tpu.memory_space<vmem>>) offsets(%dma_start3A_44 : memref<128xi32, #tpu.memory_space<vmem>>) semaphore(%arg12 : memref<!tpu.dma_semaphore, #tpu.memory_space<semaphore_mem>>)
    %dma_start3A_48 = arith.constant 2 : i32
    %dma_start3A_49 = arith.constant 0 : i32
    %dma_start3A_50 = tpu.memref_slice %arg6[%dma_start3A_48, %dma_start3A_49] : memref<16x128xi32, #tpu.memory_space<vmem>> -> memref<1x128xi32, #tpu.memory_space<vmem>>
    %dma_start3A_51 = tpu.memref_squeeze %dma_start3A_50 : memref<1x128xi32, #tpu.memory_space<vmem>> -> memref<128xi32, #tpu.memory_space<vmem>>
    %dma_start3A_52 = arith.constant 0 : i32
    %dma_start3A_53 = arith.constant 0 : i32
    %dma_start3A_54 = tpu.memref_slice %arg2[%dma_start3A_52, %dma_start3A_53] : memref<10240x128xf32, #tpu.memory_space<hbm>> -> memref<10240x128xf32, #tpu.memory_space<hbm>>
    tpu.enqueue_indirect_dma source(%dma_start3A_54 : memref<10240x128xf32, #tpu.memory_space<hbm>>) target(%arg9 : memref<128x128xf32, #tpu.memory_space<vmem>>) offsets(%dma_start3A_51 : memref<128xi32, #tpu.memory_space<vmem>>) semaphore(%arg13 : memref<!tpu.dma_semaphore, #tpu.memory_space<semaphore_mem>>)
    %barrier3A = arith.constant 0 : index
    tpu.barrier barrier_id(%barrier3A)
    %scan3A_55 = arith.constant 0 : i32
    %scan3A_56 = arith.constant 0 : i32
    %scan3A_57 = arith.constant 5 : i32
    %scan3A_58 = arith.addi %scan3A_56, %scan3A_57 : i32
    %scan3A_59 = arith.constant 1 : i32
    %scan3A_60 = scf.for %scan3A_85 = %scan3A_56 to %scan3A_58 step %scan3A_59 iter_args(%scan3A_86 = %scan3A_55) -> (i32)  : i32 {
      %dma_wait3A_87 = arith.constant 0 : i32
      %dma_wait3A_88 = arith.constant 0 : i32
      %dma_wait3A_89 = tpu.memref_slice %arg6[%dma_wait3A_87, %dma_wait3A_88] : memref<16x128xi32, #tpu.memory_space<vmem>> -> memref<1x128xi32, #tpu.memory_space<vmem>>
      %dma_wait3A_90 = tpu.memref_squeeze %dma_wait3A_89 : memref<1x128xi32, #tpu.memory_space<vmem>> -> memref<128xi32, #tpu.memory_space<vmem>>
      %dma_wait3A_91 = arith.constant 0 : i32
      %dma_wait3A_92 = arith.constant 0 : i32
      %dma_wait3A_93 = tpu.memref_slice %arg2[%dma_wait3A_91, %dma_wait3A_92] : memref<10240x128xf32, #tpu.memory_space<hbm>> -> memref<10240x128xf32, #tpu.memory_space<hbm>>
      tpu.wait_indirect_dma semaphore(%arg12 : memref<!tpu.dma_semaphore, #tpu.memory_space<semaphore_mem>>) src(%dma_wait3A_93 : memref<10240x128xf32, #tpu.memory_space<hbm>>) dst(%arg8 : memref<128x128xf32, #tpu.memory_space<vmem>>)
      %run_scoped3A = arith.constant 1 : i32
      "tpu.region"() ({
        %run_scoped3A_367 = tpu.sem_alloc : memref<!tpu.dma_semaphore, #tpu.memory_space<semaphore_mem>>
        %dma_start3A_368 = arith.constant 0 : i32
        %dma_start3A_369 = tpu.memref_slice %arg6[%run_scoped3A, %dma_start3A_368] : memref<16x128xi32, #tpu.memory_space<vmem>> -> memref<1x128xi32, #tpu.memory_space<vmem>>
        %dma_start3A_370 = tpu.memref_squeeze %dma_start3A_369 : memref<1x128xi32, #tpu.memory_space<vmem>> -> memref<128xi32, #tpu.memory_space<vmem>>
        %dma_start3A_371 = arith.constant 0 : i32
        %dma_start3A_372 = arith.constant 0 : i32
        %dma_start3A_373 = tpu.memref_slice %arg5[%dma_start3A_371, %dma_start3A_372] : memref<10240x128xf32, #tpu.memory_space<vmem_shared>> -> memref<10240x128xf32, #tpu.memory_space<vmem_shared>>
        tpu.enqueue_indirect_dma source(%arg8 : memref<128x128xf32, #tpu.memory_space<vmem>>) target(%dma_start3A_373 : memref<10240x128xf32, #tpu.memory_space<vmem_shared>>) offsets(%dma_start3A_370 : memref<128xi32, #tpu.memory_space<vmem>>) semaphore(%run_scoped3A_367 : memref<!tpu.dma_semaphore, #tpu.memory_space<semaphore_mem>>) {add = true}
        %dma_wait3A_374 = arith.constant 0 : i32
        %dma_wait3A_375 = tpu.memref_slice %arg6[%run_scoped3A, %dma_wait3A_374] : memref<16x128xi32, #tpu.memory_space<vmem>> -> memref<1x128xi32, #tpu.memory_space<vmem>>
        %dma_wait3A_376 = tpu.memref_squeeze %dma_wait3A_375 : memref<1x128xi32, #tpu.memory_space<vmem>> -> memref<128xi32, #tpu.memory_space<vmem>>
        %dma_wait3A_377 = arith.constant 0 : i32
        %dma_wait3A_378 = arith.constant 0 : i32
        %dma_wait3A_379 = tpu.memref_slice %arg5[%dma_wait3A_377, %dma_wait3A_378] : memref<10240x128xf32, #tpu.memory_space<vmem_shared>> -> memref<10240x128xf32, #tpu.memory_space<vmem_shared>>
        tpu.wait_indirect_dma semaphore(%run_scoped3A_367 : memref<!tpu.dma_semaphore, #tpu.memory_space<semaphore_mem>>) src(%arg8 : memref<128x128xf32, #tpu.memory_space<vmem>>) dst(%dma_wait3A_379 : memref<10240x128xf32, #tpu.memory_space<vmem_shared>>)
        tpu.yield
      }) : () -> ()
      %dma_start3A_94 = arith.constant 4 : i32
      %dma_start3A_95 = arith.constant 0 : i32
      %dma_start3A_96 = tpu.memref_slice %arg6[%dma_start3A_94, %dma_start3A_95] : memref<16x128xi32, #tpu.memory_space<vmem>> -> memref<1x128xi32, #tpu.memory_space<vmem>>
      %dma_start3A_97 = tpu.memref_squeeze %dma_start3A_96 : memref<1x128xi32, #tpu.memory_space<vmem>> -> memref<128xi32, #tpu.memory_space<vmem>>
      %dma_start3A_98 = arith.constant 0 : i32
      %dma_start3A_99 = arith.constant 0 : i32
      %dma_start3A_100 = tpu.memref_slice %arg2[%dma_start3A_98, %dma_start3A_99] : memref<10240x128xf32, #tpu.memory_space<hbm>> -> memref<10240x128xf32, #tpu.memory_space<hbm>>
      tpu.enqueue_indirect_dma source(%dma_start3A_100 : memref<10240x128xf32, #tpu.memory_space<hbm>>) target(%arg8 : memref<128x128xf32, #tpu.memory_space<vmem>>) offsets(%dma_start3A_97 : memref<128xi32, #tpu.memory_space<vmem>>) semaphore(%arg12 : memref<!tpu.dma_semaphore, #tpu.memory_space<semaphore_mem>>)
      %dma_wait3A_101 = arith.constant 0 : i32
      %dma_wait3A_102 = arith.constant 0 : i32
      %dma_wait3A_103 = tpu.memref_slice %arg6[%dma_wait3A_101, %dma_wait3A_102] : memref<16x128xi32, #tpu.memory_space<vmem>> -> memref<1x128xi32, #tpu.memory_space<vmem>>
      %dma_wait3A_104 = tpu.memref_squeeze %dma_wait3A_103 : memref<1x128xi32, #tpu.memory_space<vmem>> -> memref<128xi32, #tpu.memory_space<vmem>>
      %dma_wait3A_105 = arith.constant 0 : i32
      %dma_wait3A_106 = arith.constant 0 : i32
      %dma_wait3A_107 = tpu.memref_slice %arg2[%dma_wait3A_105, %dma_wait3A_106] : memref<10240x128xf32, #tpu.memory_space<hbm>> -> memref<10240x128xf32, #tpu.memory_space<hbm>>
      tpu.wait_indirect_dma semaphore(%arg13 : memref<!tpu.dma_semaphore, #tpu.memory_space<semaphore_mem>>) src(%dma_wait3A_107 : memref<10240x128xf32, #tpu.memory_space<hbm>>) dst(%arg9 : memref<128x128xf32, #tpu.memory_space<vmem>>)
      %run_scoped3A_108 = arith.constant 3 : i32
      "tpu.region"() ({
        %run_scoped3A_367 = tpu.sem_alloc : memref<!tpu.dma_semaphore, #tpu.memory_space<semaphore_mem>>
        %dma_start3A_368 = arith.constant 0 : i32
        %dma_start3A_369 = tpu.memref_slice %arg6[%run_scoped3A_108, %dma_start3A_368] : memref<16x128xi32, #tpu.memory_space<vmem>> -> memref<1x128xi32, #tpu.memory_space<vmem>>
        %dma_start3A_370 = tpu.memref_squeeze %dma_start3A_369 : memref<1x128xi32, #tpu.memory_space<vmem>> -> memref<128xi32, #tpu.memory_space<vmem>>
        %dma_start3A_371 = arith.constant 0 : i32
        %dma_start3A_372 = arith.constant 0 : i32
        %dma_start3A_373 = tpu.memref_slice %arg5[%dma_start3A_371, %dma_start3A_372] : memref<10240x128xf32, #tpu.memory_space<vmem_shared>> -> memref<10240x128xf32, #tpu.memory_space<vmem_shared>>
        tpu.enqueue_indirect_dma source(%arg9 : memref<128x128xf32, #tpu.memory_space<vmem>>) target(%dma_start3A_373 : memref<10240x128xf32, #tpu.memory_space<vmem_shared>>) offsets(%dma_start3A_370 : memref<128xi32, #tpu.memory_space<vmem>>) semaphore(%run_scoped3A_367 : memref<!tpu.dma_semaphore, #tpu.memory_space<semaphore_mem>>) {add = true}
        %dma_wait3A_374 = arith.constant 0 : i32
        %dma_wait3A_375 = tpu.memref_slice %arg6[%run_scoped3A_108, %dma_wait3A_374] : memref<16x128xi32, #tpu.memory_space<vmem>> -> memref<1x128xi32, #tpu.memory_space<vmem>>
        %dma_wait3A_376 = tpu.memref_squeeze %dma_wait3A_375 : memref<1x128xi32, #tpu.memory_space<vmem>> -> memref<128xi32, #tpu.memory_space<vmem>>
        %dma_wait3A_377 = arith.constant 0 : i32
        %dma_wait3A_378 = arith.constant 0 : i32
        %dma_wait3A_379 = tpu.memref_slice %arg5[%dma_wait3A_377, %dma_wait3A_378] : memref<10240x128xf32, #tpu.memory_space<vmem_shared>> -> memref<10240x128xf32, #tpu.memory_space<vmem_shared>>
        tpu.wait_indirect_dma semaphore(%run_scoped3A_367 : memref<!tpu.dma_semaphore, #tpu.memory_space<semaphore_mem>>) src(%arg9 : memref<128x128xf32, #tpu.memory_space<vmem>>) dst(%dma_wait3A_379 : memref<10240x128xf32, #tpu.memory_space<vmem_shared>>)
        tpu.yield
      }) : () -> ()
      %dma_start3A_109 = arith.constant 6 : i32
      %dma_start3A_110 = arith.constant 0 : i32
      %dma_start3A_111 = tpu.memref_slice %arg6[%dma_start3A_109, %dma_start3A_110] : memref<16x128xi32, #tpu.memory_space<vmem>> -> memref<1x128xi32, #tpu.memory_space<vmem>>
      %dma_start3A_112 = tpu.memref_squeeze %dma_start3A_111 : memref<1x128xi32, #tpu.memory_space<vmem>> -> memref<128xi32, #tpu.memory_space<vmem>>
      %dma_start3A_113 = arith.constant 0 : i32
      %dma_start3A_114 = arith.constant 0 : i32
      %dma_start3A_115 = tpu.memref_slice %arg2[%dma_start3A_113, %dma_start3A_114] : memref<10240x128xf32, #tpu.memory_space<hbm>> -> memref<10240x128xf32, #tpu.memory_space<hbm>>
      tpu.enqueue_indirect_dma source(%dma_start3A_115 : memref<10240x128xf32, #tpu.memory_space<hbm>>) target(%arg9 : memref<128x128xf32, #tpu.memory_space<vmem>>) offsets(%dma_start3A_112 : memref<128xi32, #tpu.memory_space<vmem>>) semaphore(%arg13 : memref<!tpu.dma_semaphore, #tpu.memory_space<semaphore_mem>>)
      %dma_wait3A_116 = arith.constant 0 : i32
      %dma_wait3A_117 = arith.constant 0 : i32
      %dma_wait3A_118 = tpu.memref_slice %arg6[%dma_wait3A_116, %dma_wait3A_117] : memref<16x128xi32, #tpu.memory_space<vmem>> -> memref<1x128xi32, #tpu.memory_space<vmem>>
      %dma_wait3A_119 = tpu.memref_squeeze %dma_wait3A_118 : memref<1x128xi32, #tpu.memory_space<vmem>> -> memref<128xi32, #tpu.memory_space<vmem>>
      %dma_wait3A_120 = arith.constant 0 : i32
      %dma_wait3A_121 = arith.constant 0 : i32
      %dma_wait3A_122 = tpu.memref_slice %arg2[%dma_wait3A_120, %dma_wait3A_121] : memref<10240x128xf32, #tpu.memory_space<hbm>> -> memref<10240x128xf32, #tpu.memory_space<hbm>>
      tpu.wait_indirect_dma semaphore(%arg12 : memref<!tpu.dma_semaphore, #tpu.memory_space<semaphore_mem>>) src(%dma_wait3A_122 : memref<10240x128xf32, #tpu.memory_space<hbm>>) dst(%arg8 : memref<128x128xf32, #tpu.memory_space<vmem>>)
      %run_scoped3A_123 = arith.constant 5 : i32
      "tpu.region"() ({
        %run_scoped3A_367 = tpu.sem_alloc : memref<!tpu.dma_semaphore, #tpu.memory_space<semaphore_mem>>
        %dma_start3A_368 = arith.constant 0 : i32
        %dma_start3A_369 = tpu.memref_slice %arg6[%run_scoped3A_123, %dma_start3A_368] : memref<16x128xi32, #tpu.memory_space<vmem>> -> memref<1x128xi32, #tpu.memory_space<vmem>>
        %dma_start3A_370 = tpu.memref_squeeze %dma_start3A_369 : memref<1x128xi32, #tpu.memory_space<vmem>> -> memref<128xi32, #tpu.memory_space<vmem>>
        %dma_start3A_371 = arith.constant 0 : i32
        %dma_start3A_372 = arith.constant 0 : i32
        %dma_start3A_373 = tpu.memref_slice %arg5[%dma_start3A_371, %dma_start3A_372] : memref<10240x128xf32, #tpu.memory_space<vmem_shared>> -> memref<10240x128xf32, #tpu.memory_space<vmem_shared>>
        tpu.enqueue_indirect_dma source(%arg8 : memref<128x128xf32, #tpu.memory_space<vmem>>) target(%dma_start3A_373 : memref<10240x128xf32, #tpu.memory_space<vmem_shared>>) offsets(%dma_start3A_370 : memref<128xi32, #tpu.memory_space<vmem>>) semaphore(%run_scoped3A_367 : memref<!tpu.dma_semaphore, #tpu.memory_space<semaphore_mem>>) {add = true}
        %dma_wait3A_374 = arith.constant 0 : i32
        %dma_wait3A_375 = tpu.memref_slice %arg6[%run_scoped3A_123, %dma_wait3A_374] : memref<16x128xi32, #tpu.memory_space<vmem>> -> memref<1x128xi32, #tpu.memory_space<vmem>>
        %dma_wait3A_376 = tpu.memref_squeeze %dma_wait3A_375 : memref<1x128xi32, #tpu.memory_space<vmem>> -> memref<128xi32, #tpu.memory_space<vmem>>
        %dma_wait3A_377 = arith.constant 0 : i32
        %dma_wait3A_378 = arith.constant 0 : i32
        %dma_wait3A_379 = tpu.memref_slice %arg5[%dma_wait3A_377, %dma_wait3A_378] : memref<10240x128xf32, #tpu.memory_space<vmem_shared>> -> memref<10240x128xf32, #tpu.memory_space<vmem_shared>>
        tpu.wait_indirect_dma semaphore(%run_scoped3A_367 : memref<!tpu.dma_semaphore, #tpu.memory_space<semaphore_mem>>) src(%arg8 : memref<128x128xf32, #tpu.memory_space<vmem>>) dst(%dma_wait3A_379 : memref<10240x128xf32, #tpu.memory_space<vmem_shared>>)
        tpu.yield
      }) : () -> ()
      %dma_start3A_124 = arith.constant 8 : i32
      %dma_start3A_125 = arith.constant 0 : i32
      %dma_start3A_126 = tpu.memref_slice %arg6[%dma_start3A_124, %dma_start3A_125] : memref<16x128xi32, #tpu.memory_space<vmem>> -> memref<1x128xi32, #tpu.memory_space<vmem>>
      %dma_start3A_127 = tpu.memref_squeeze %dma_start3A_126 : memref<1x128xi32, #tpu.memory_space<vmem>> -> memref<128xi32, #tpu.memory_space<vmem>>
      %dma_start3A_128 = arith.constant 0 : i32
      %dma_start3A_129 = arith.constant 0 : i32
      %dma_start3A_130 = tpu.memref_slice %arg2[%dma_start3A_128, %dma_start3A_129] : memref<10240x128xf32, #tpu.memory_space<hbm>> -> memref<10240x128xf32, #tpu.memory_space<hbm>>
      tpu.enqueue_indirect_dma source(%dma_start3A_130 : memref<10240x128xf32, #tpu.memory_space<hbm>>) target(%arg8 : memref<128x128xf32, #tpu.memory_space<vmem>>) offsets(%dma_start3A_127 : memref<128xi32, #tpu.memory_space<vmem>>) semaphore(%arg12 : memref<!tpu.dma_semaphore, #tpu.memory_space<semaphore_mem>>)
      %dma_wait3A_131 = arith.constant 0 : i32
      %dma_wait3A_132 = arith.constant 0 : i32
      %dma_wait3A_133 = tpu.memref_slice %arg6[%dma_wait3A_131, %dma_wait3A_132] : memref<16x128xi32, #tpu.memory_space<vmem>> -> memref<1x128xi32, #tpu.memory_space<vmem>>
      %dma_wait3A_134 = tpu.memref_squeeze %dma_wait3A_133 : memref<1x128xi32, #tpu.memory_space<vmem>> -> memref<128xi32, #tpu.memory_space<vmem>>
      %dma_wait3A_135 = arith.constant 0 : i32
      %dma_wait3A_136 = arith.constant 0 : i32
      %dma_wait3A_137 = tpu.memref_slice %arg2[%dma_wait3A_135, %dma_wait3A_136] : memref<10240x128xf32, #tpu.memory_space<hbm>> -> memref<10240x128xf32, #tpu.memory_space<hbm>>
      tpu.wait_indirect_dma semaphore(%arg13 : memref<!tpu.dma_semaphore, #tpu.memory_space<semaphore_mem>>) src(%dma_wait3A_137 : memref<10240x128xf32, #tpu.memory_space<hbm>>) dst(%arg9 : memref<128x128xf32, #tpu.memory_space<vmem>>)
      %run_scoped3A_138 = arith.constant 7 : i32
      "tpu.region"() ({
        %run_scoped3A_367 = tpu.sem_alloc : memref<!tpu.dma_semaphore, #tpu.memory_space<semaphore_mem>>
        %dma_start3A_368 = arith.constant 0 : i32
        %dma_start3A_369 = tpu.memref_slice %arg6[%run_scoped3A_138, %dma_start3A_368] : memref<16x128xi32, #tpu.memory_space<vmem>> -> memref<1x128xi32, #tpu.memory_space<vmem>>
        %dma_start3A_370 = tpu.memref_squeeze %dma_start3A_369 : memref<1x128xi32, #tpu.memory_space<vmem>> -> memref<128xi32, #tpu.memory_space<vmem>>
        %dma_start3A_371 = arith.constant 0 : i32
        %dma_start3A_372 = arith.constant 0 : i32
        %dma_start3A_373 = tpu.memref_slice %arg5[%dma_start3A_371, %dma_start3A_372] : memref<10240x128xf32, #tpu.memory_space<vmem_shared>> -> memref<10240x128xf32, #tpu.memory_space<vmem_shared>>
        tpu.enqueue_indirect_dma source(%arg9 : memref<128x128xf32, #tpu.memory_space<vmem>>) target(%dma_start3A_373 : memref<10240x128xf32, #tpu.memory_space<vmem_shared>>) offsets(%dma_start3A_370 : memref<128xi32, #tpu.memory_space<vmem>>) semaphore(%run_scoped3A_367 : memref<!tpu.dma_semaphore, #tpu.memory_space<semaphore_mem>>) {add = true}
        %dma_wait3A_374 = arith.constant 0 : i32
        %dma_wait3A_375 = tpu.memref_slice %arg6[%run_scoped3A_138, %dma_wait3A_374] : memref<16x128xi32, #tpu.memory_space<vmem>> -> memref<1x128xi32, #tpu.memory_space<vmem>>
        %dma_wait3A_376 = tpu.memref_squeeze %dma_wait3A_375 : memref<1x128xi32, #tpu.memory_space<vmem>> -> memref<128xi32, #tpu.memory_space<vmem>>
        %dma_wait3A_377 = arith.constant 0 : i32
        %dma_wait3A_378 = arith.constant 0 : i32
        %dma_wait3A_379 = tpu.memref_slice %arg5[%dma_wait3A_377, %dma_wait3A_378] : memref<10240x128xf32, #tpu.memory_space<vmem_shared>> -> memref<10240x128xf32, #tpu.memory_space<vmem_shared>>
        tpu.wait_indirect_dma semaphore(%run_scoped3A_367 : memref<!tpu.dma_semaphore, #tpu.memory_space<semaphore_mem>>) src(%arg9 : memref<128x128xf32, #tpu.memory_space<vmem>>) dst(%dma_wait3A_379 : memref<10240x128xf32, #tpu.memory_space<vmem_shared>>)
        tpu.yield
      }) : () -> ()
      %dma_start3A_139 = arith.constant 10 : i32
      %dma_start3A_140 = arith.constant 0 : i32
      %dma_start3A_141 = tpu.memref_slice %arg6[%dma_start3A_139, %dma_start3A_140] : memref<16x128xi32, #tpu.memory_space<vmem>> -> memref<1x128xi32, #tpu.memory_space<vmem>>
      %dma_start3A_142 = tpu.memref_squeeze %dma_start3A_141 : memref<1x128xi32, #tpu.memory_space<vmem>> -> memref<128xi32, #tpu.memory_space<vmem>>
      %dma_start3A_143 = arith.constant 0 : i32
      %dma_start3A_144 = arith.constant 0 : i32
      %dma_start3A_145 = tpu.memref_slice %arg2[%dma_start3A_143, %dma_start3A_144] : memref<10240x128xf32, #tpu.memory_space<hbm>> -> memref<10240x128xf32, #tpu.memory_space<hbm>>
      tpu.enqueue_indirect_dma source(%dma_start3A_145 : memref<10240x128xf32, #tpu.memory_space<hbm>>) target(%arg9 : memref<128x128xf32, #tpu.memory_space<vmem>>) offsets(%dma_start3A_142 : memref<128xi32, #tpu.memory_space<vmem>>) semaphore(%arg13 : memref<!tpu.dma_semaphore, #tpu.memory_space<semaphore_mem>>)
      %dma_wait3A_146 = arith.constant 0 : i32
      %dma_wait3A_147 = arith.constant 0 : i32
      %dma_wait3A_148 = tpu.memref_slice %arg6[%dma_wait3A_146, %dma_wait3A_147] : memref<16x128xi32, #tpu.memory_space<vmem>> -> memref<1x128xi32, #tpu.memory_space<vmem>>
      %dma_wait3A_149 = tpu.memref_squeeze %dma_wait3A_148 : memref<1x128xi32, #tpu.memory_space<vmem>> -> memref<128xi32, #tpu.memory_space<vmem>>
      %dma_wait3A_150 = arith.constant 0 : i32
      %dma_wait3A_151 = arith.constant 0 : i32
      %dma_wait3A_152 = tpu.memref_slice %arg2[%dma_wait3A_150, %dma_wait3A_151] : memref<10240x128xf32, #tpu.memory_space<hbm>> -> memref<10240x128xf32, #tpu.memory_space<hbm>>
      tpu.wait_indirect_dma semaphore(%arg12 : memref<!tpu.dma_semaphore, #tpu.memory_space<semaphore_mem>>) src(%dma_wait3A_152 : memref<10240x128xf32, #tpu.memory_space<hbm>>) dst(%arg8 : memref<128x128xf32, #tpu.memory_space<vmem>>)
      %run_scoped3A_153 = arith.constant 9 : i32
      "tpu.region"() ({
        %run_scoped3A_367 = tpu.sem_alloc : memref<!tpu.dma_semaphore, #tpu.memory_space<semaphore_mem>>
        %dma_start3A_368 = arith.constant 0 : i32
        %dma_start3A_369 = tpu.memref_slice %arg6[%run_scoped3A_153, %dma_start3A_368] : memref<16x128xi32, #tpu.memory_space<vmem>> -> memref<1x128xi32, #tpu.memory_space<vmem>>
        %dma_start3A_370 = tpu.memref_squeeze %dma_start3A_369 : memref<1x128xi32, #tpu.memory_space<vmem>> -> memref<128xi32, #tpu.memory_space<vmem>>
        %dma_start3A_371 = arith.constant 0 : i32
        %dma_start3A_372 = arith.constant 0 : i32
        %dma_start3A_373 = tpu.memref_slice %arg5[%dma_start3A_371, %dma_start3A_372] : memref<10240x128xf32, #tpu.memory_space<vmem_shared>> -> memref<10240x128xf32, #tpu.memory_space<vmem_shared>>
        tpu.enqueue_indirect_dma source(%arg8 : memref<128x128xf32, #tpu.memory_space<vmem>>) target(%dma_start3A_373 : memref<10240x128xf32, #tpu.memory_space<vmem_shared>>) offsets(%dma_start3A_370 : memref<128xi32, #tpu.memory_space<vmem>>) semaphore(%run_scoped3A_367 : memref<!tpu.dma_semaphore, #tpu.memory_space<semaphore_mem>>) {add = true}
        %dma_wait3A_374 = arith.constant 0 : i32
        %dma_wait3A_375 = tpu.memref_slice %arg6[%run_scoped3A_153, %dma_wait3A_374] : memref<16x128xi32, #tpu.memory_space<vmem>> -> memref<1x128xi32, #tpu.memory_space<vmem>>
        %dma_wait3A_376 = tpu.memref_squeeze %dma_wait3A_375 : memref<1x128xi32, #tpu.memory_space<vmem>> -> memref<128xi32, #tpu.memory_space<vmem>>
        %dma_wait3A_377 = arith.constant 0 : i32
        %dma_wait3A_378 = arith.constant 0 : i32
        %dma_wait3A_379 = tpu.memref_slice %arg5[%dma_wait3A_377, %dma_wait3A_378] : memref<10240x128xf32, #tpu.memory_space<vmem_shared>> -> memref<10240x128xf32, #tpu.memory_space<vmem_shared>>
        tpu.wait_indirect_dma semaphore(%run_scoped3A_367 : memref<!tpu.dma_semaphore, #tpu.memory_space<semaphore_mem>>) src(%arg8 : memref<128x128xf32, #tpu.memory_space<vmem>>) dst(%dma_wait3A_379 : memref<10240x128xf32, #tpu.memory_space<vmem_shared>>)
        tpu.yield
      }) : () -> ()
      %dma_start3A_154 = arith.constant 12 : i32
      %dma_start3A_155 = arith.constant 0 : i32
      %dma_start3A_156 = tpu.memref_slice %arg6[%dma_start3A_154, %dma_start3A_155] : memref<16x128xi32, #tpu.memory_space<vmem>> -> memref<1x128xi32, #tpu.memory_space<vmem>>
      %dma_start3A_157 = tpu.memref_squeeze %dma_start3A_156 : memref<1x128xi32, #tpu.memory_space<vmem>> -> memref<128xi32, #tpu.memory_space<vmem>>
      %dma_start3A_158 = arith.constant 0 : i32
      %dma_start3A_159 = arith.constant 0 : i32
      %dma_start3A_160 = tpu.memref_slice %arg2[%dma_start3A_158, %dma_start3A_159] : memref<10240x128xf32, #tpu.memory_space<hbm>> -> memref<10240x128xf32, #tpu.memory_space<hbm>>
      tpu.enqueue_indirect_dma source(%dma_start3A_160 : memref<10240x128xf32, #tpu.memory_space<hbm>>) target(%arg8 : memref<128x128xf32, #tpu.memory_space<vmem>>) offsets(%dma_start3A_157 : memref<128xi32, #tpu.memory_space<vmem>>) semaphore(%arg12 : memref<!tpu.dma_semaphore, #tpu.memory_space<semaphore_mem>>)
      %dma_wait3A_161 = arith.constant 0 : i32
      %dma_wait3A_162 = arith.constant 0 : i32
      %dma_wait3A_163 = tpu.memref_slice %arg6[%dma_wait3A_161, %dma_wait3A_162] : memref<16x128xi32, #tpu.memory_space<vmem>> -> memref<1x128xi32, #tpu.memory_space<vmem>>
      %dma_wait3A_164 = tpu.memref_squeeze %dma_wait3A_163 : memref<1x128xi32, #tpu.memory_space<vmem>> -> memref<128xi32, #tpu.memory_space<vmem>>
      %dma_wait3A_165 = arith.constant 0 : i32
      %dma_wait3A_166 = arith.constant 0 : i32
      %dma_wait3A_167 = tpu.memref_slice %arg2[%dma_wait3A_165, %dma_wait3A_166] : memref<10240x128xf32, #tpu.memory_space<hbm>> -> memref<10240x128xf32, #tpu.memory_space<hbm>>
      tpu.wait_indirect_dma semaphore(%arg13 : memref<!tpu.dma_semaphore, #tpu.memory_space<semaphore_mem>>) src(%dma_wait3A_167 : memref<10240x128xf32, #tpu.memory_space<hbm>>) dst(%arg9 : memref<128x128xf32, #tpu.memory_space<vmem>>)
      %run_scoped3A_168 = arith.constant 11 : i32
      "tpu.region"() ({
        %run_scoped3A_367 = tpu.sem_alloc : memref<!tpu.dma_semaphore, #tpu.memory_space<semaphore_mem>>
        %dma_start3A_368 = arith.constant 0 : i32
        %dma_start3A_369 = tpu.memref_slice %arg6[%run_scoped3A_168, %dma_start3A_368] : memref<16x128xi32, #tpu.memory_space<vmem>> -> memref<1x128xi32, #tpu.memory_space<vmem>>
        %dma_start3A_370 = tpu.memref_squeeze %dma_start3A_369 : memref<1x128xi32, #tpu.memory_space<vmem>> -> memref<128xi32, #tpu.memory_space<vmem>>
        %dma_start3A_371 = arith.constant 0 : i32
        %dma_start3A_372 = arith.constant 0 : i32
        %dma_start3A_373 = tpu.memref_slice %arg5[%dma_start3A_371, %dma_start3A_372] : memref<10240x128xf32, #tpu.memory_space<vmem_shared>> -> memref<10240x128xf32, #tpu.memory_space<vmem_shared>>
        tpu.enqueue_indirect_dma source(%arg9 : memref<128x128xf32, #tpu.memory_space<vmem>>) target(%dma_start3A_373 : memref<10240x128xf32, #tpu.memory_space<vmem_shared>>) offsets(%dma_start3A_370 : memref<128xi32, #tpu.memory_space<vmem>>) semaphore(%run_scoped3A_367 : memref<!tpu.dma_semaphore, #tpu.memory_space<semaphore_mem>>) {add = true}
        %dma_wait3A_374 = arith.constant 0 : i32
        %dma_wait3A_375 = tpu.memref_slice %arg6[%run_scoped3A_168, %dma_wait3A_374] : memref<16x128xi32, #tpu.memory_space<vmem>> -> memref<1x128xi32, #tpu.memory_space<vmem>>
        %dma_wait3A_376 = tpu.memref_squeeze %dma_wait3A_375 : memref<1x128xi32, #tpu.memory_space<vmem>> -> memref<128xi32, #tpu.memory_space<vmem>>
        %dma_wait3A_377 = arith.constant 0 : i32
        %dma_wait3A_378 = arith.constant 0 : i32
        %dma_wait3A_379 = tpu.memref_slice %arg5[%dma_wait3A_377, %dma_wait3A_378] : memref<10240x128xf32, #tpu.memory_space<vmem_shared>> -> memref<10240x128xf32, #tpu.memory_space<vmem_shared>>
        tpu.wait_indirect_dma semaphore(%run_scoped3A_367 : memref<!tpu.dma_semaphore, #tpu.memory_space<semaphore_mem>>) src(%arg9 : memref<128x128xf32, #tpu.memory_space<vmem>>) dst(%dma_wait3A_379 : memref<10240x128xf32, #tpu.memory_space<vmem_shared>>)
        tpu.yield
      }) : () -> ()
      %dma_start3A_169 = arith.constant 14 : i32
      %dma_start3A_170 = arith.constant 0 : i32
      %dma_start3A_171 = tpu.memref_slice %arg6[%dma_start3A_169, %dma_start3A_170] : memref<16x128xi32, #tpu.memory_space<vmem>> -> memref<1x128xi32, #tpu.memory_space<vmem>>
      %dma_start3A_172 = tpu.memref_squeeze %dma_start3A_171 : memref<1x128xi32, #tpu.memory_space<vmem>> -> memref<128xi32, #tpu.memory_space<vmem>>
      %dma_start3A_173 = arith.constant 0 : i32
      %dma_start3A_174 = arith.constant 0 : i32
      %dma_start3A_175 = tpu.memref_slice %arg2[%dma_start3A_173, %dma_start3A_174] : memref<10240x128xf32, #tpu.memory_space<hbm>> -> memref<10240x128xf32, #tpu.memory_space<hbm>>
      tpu.enqueue_indirect_dma source(%dma_start3A_175 : memref<10240x128xf32, #tpu.memory_space<hbm>>) target(%arg9 : memref<128x128xf32, #tpu.memory_space<vmem>>) offsets(%dma_start3A_172 : memref<128xi32, #tpu.memory_space<vmem>>) semaphore(%arg13 : memref<!tpu.dma_semaphore, #tpu.memory_space<semaphore_mem>>)
      %dma_wait3A_176 = arith.constant 0 : i32
      %dma_wait3A_177 = arith.constant 0 : i32
      %dma_wait3A_178 = tpu.memref_slice %arg6[%dma_wait3A_176, %dma_wait3A_177] : memref<16x128xi32, #tpu.memory_space<vmem>> -> memref<1x128xi32, #tpu.memory_space<vmem>>
      %dma_wait3A_179 = tpu.memref_squeeze %dma_wait3A_178 : memref<1x128xi32, #tpu.memory_space<vmem>> -> memref<128xi32, #tpu.memory_space<vmem>>
      %dma_wait3A_180 = arith.constant 0 : i32
      %dma_wait3A_181 = arith.constant 0 : i32
      %dma_wait3A_182 = tpu.memref_slice %arg2[%dma_wait3A_180, %dma_wait3A_181] : memref<10240x128xf32, #tpu.memory_space<hbm>> -> memref<10240x128xf32, #tpu.memory_space<hbm>>
      tpu.wait_indirect_dma semaphore(%arg12 : memref<!tpu.dma_semaphore, #tpu.memory_space<semaphore_mem>>) src(%dma_wait3A_182 : memref<10240x128xf32, #tpu.memory_space<hbm>>) dst(%arg8 : memref<128x128xf32, #tpu.memory_space<vmem>>)
      %run_scoped3A_183 = arith.constant 13 : i32
      "tpu.region"() ({
        %run_scoped3A_367 = tpu.sem_alloc : memref<!tpu.dma_semaphore, #tpu.memory_space<semaphore_mem>>
        %dma_start3A_368 = arith.constant 0 : i32
        %dma_start3A_369 = tpu.memref_slice %arg6[%run_scoped3A_183, %dma_start3A_368] : memref<16x128xi32, #tpu.memory_space<vmem>> -> memref<1x128xi32, #tpu.memory_space<vmem>>
        %dma_start3A_370 = tpu.memref_squeeze %dma_start3A_369 : memref<1x128xi32, #tpu.memory_space<vmem>> -> memref<128xi32, #tpu.memory_space<vmem>>
        %dma_start3A_371 = arith.constant 0 : i32
        %dma_start3A_372 = arith.constant 0 : i32
        %dma_start3A_373 = tpu.memref_slice %arg5[%dma_start3A_371, %dma_start3A_372] : memref<10240x128xf32, #tpu.memory_space<vmem_shared>> -> memref<10240x128xf32, #tpu.memory_space<vmem_shared>>
        tpu.enqueue_indirect_dma source(%arg8 : memref<128x128xf32, #tpu.memory_space<vmem>>) target(%dma_start3A_373 : memref<10240x128xf32, #tpu.memory_space<vmem_shared>>) offsets(%dma_start3A_370 : memref<128xi32, #tpu.memory_space<vmem>>) semaphore(%run_scoped3A_367 : memref<!tpu.dma_semaphore, #tpu.memory_space<semaphore_mem>>) {add = true}
        %dma_wait3A_374 = arith.constant 0 : i32
        %dma_wait3A_375 = tpu.memref_slice %arg6[%run_scoped3A_183, %dma_wait3A_374] : memref<16x128xi32, #tpu.memory_space<vmem>> -> memref<1x128xi32, #tpu.memory_space<vmem>>
        %dma_wait3A_376 = tpu.memref_squeeze %dma_wait3A_375 : memref<1x128xi32, #tpu.memory_space<vmem>> -> memref<128xi32, #tpu.memory_space<vmem>>
        %dma_wait3A_377 = arith.constant 0 : i32
        %dma_wait3A_378 = arith.constant 0 : i32
        %dma_wait3A_379 = tpu.memref_slice %arg5[%dma_wait3A_377, %dma_wait3A_378] : memref<10240x128xf32, #tpu.memory_space<vmem_shared>> -> memref<10240x128xf32, #tpu.memory_space<vmem_shared>>
        tpu.wait_indirect_dma semaphore(%run_scoped3A_367 : memref<!tpu.dma_semaphore, #tpu.memory_space<semaphore_mem>>) src(%arg8 : memref<128x128xf32, #tpu.memory_space<vmem>>) dst(%dma_wait3A_379 : memref<10240x128xf32, #tpu.memory_space<vmem_shared>>)
        tpu.yield
      }) : () -> ()
      %dma_wait3A_184 = arith.constant 0 : i32
      %dma_wait3A_185 = arith.constant 0 : i32
      %dma_wait3A_186 = tpu.memref_slice %arg3[%add3A, %dma_wait3A_184, %dma_wait3A_185] : memref<32x192x128xi32, #tpu.memory_space<hbm>> -> memref<1x16x128xi32, #tpu.memory_space<hbm>>
      %dma_wait3A_187 = tpu.memref_squeeze %dma_wait3A_186 : memref<1x16x128xi32, #tpu.memory_space<hbm>> -> memref<16x128xi32, #tpu.memory_space<hbm>>
      %dma_wait3A_188 = arith.constant 0 : i32
      %dma_wait3A_189 = arith.constant 0 : i32
      %dma_wait3A_190 = tpu.memref_slice %arg3[%add3A, %dma_wait3A_188, %dma_wait3A_189] : memref<32x192x128xi32, #tpu.memory_space<hbm>> -> memref<1x16x128xi32, #tpu.memory_space<hbm>>
      %dma_wait3A_191 = tpu.memref_squeeze %dma_wait3A_190 : memref<1x16x128xi32, #tpu.memory_space<hbm>> -> memref<16x128xi32, #tpu.memory_space<hbm>>
      tpu.wait_dma2 semaphore(%arg11 : memref<!tpu.dma_semaphore, #tpu.memory_space<semaphore_mem>>) src(%dma_wait3A_191 : memref<16x128xi32, #tpu.memory_space<hbm>>) dst(%arg7 : memref<16x128xi32, #tpu.memory_space<vmem>>)
      %dma_start3A_192 = arith.constant 0 : i32
      %dma_start3A_193 = arith.constant 0 : i32
      %dma_start3A_194 = tpu.memref_slice %arg7[%dma_start3A_192, %dma_start3A_193] : memref<16x128xi32, #tpu.memory_space<vmem>> -> memref<1x128xi32, #tpu.memory_space<vmem>>
      %dma_start3A_195 = tpu.memref_squeeze %dma_start3A_194 : memref<1x128xi32, #tpu.memory_space<vmem>> -> memref<128xi32, #tpu.memory_space<vmem>>
      %dma_start3A_196 = arith.constant 0 : i32
      %dma_start3A_197 = arith.constant 0 : i32
      %dma_start3A_198 = tpu.memref_slice %arg2[%dma_start3A_196, %dma_start3A_197] : memref<10240x128xf32, #tpu.memory_space<hbm>> -> memref<10240x128xf32, #tpu.memory_space<hbm>>
      tpu.enqueue_indirect_dma source(%dma_start3A_198 : memref<10240x128xf32, #tpu.memory_space<hbm>>) target(%arg8 : memref<128x128xf32, #tpu.memory_space<vmem>>) offsets(%dma_start3A_195 : memref<128xi32, #tpu.memory_space<vmem>>) semaphore(%arg12 : memref<!tpu.dma_semaphore, #tpu.memory_space<semaphore_mem>>)
      %dma_wait3A_199 = arith.constant 0 : i32
      %dma_wait3A_200 = arith.constant 0 : i32
      %dma_wait3A_201 = tpu.memref_slice %arg6[%dma_wait3A_199, %dma_wait3A_200] : memref<16x128xi32, #tpu.memory_space<vmem>> -> memref<1x128xi32, #tpu.memory_space<vmem>>
      %dma_wait3A_202 = tpu.memref_squeeze %dma_wait3A_201 : memref<1x128xi32, #tpu.memory_space<vmem>> -> memref<128xi32, #tpu.memory_space<vmem>>
      %dma_wait3A_203 = arith.constant 0 : i32
      %dma_wait3A_204 = arith.constant 0 : i32
      %dma_wait3A_205 = tpu.memref_slice %arg2[%dma_wait3A_203, %dma_wait3A_204] : memref<10240x128xf32, #tpu.memory_space<hbm>> -> memref<10240x128xf32, #tpu.memory_space<hbm>>
      tpu.wait_indirect_dma semaphore(%arg13 : memref<!tpu.dma_semaphore, #tpu.memory_space<semaphore_mem>>) src(%dma_wait3A_205 : memref<10240x128xf32, #tpu.memory_space<hbm>>) dst(%arg9 : memref<128x128xf32, #tpu.memory_space<vmem>>)
      %run_scoped3A_206 = arith.constant 15 : i32
      "tpu.region"() ({
        %run_scoped3A_367 = tpu.sem_alloc : memref<!tpu.dma_semaphore, #tpu.memory_space<semaphore_mem>>
        %dma_start3A_368 = arith.constant 0 : i32
        %dma_start3A_369 = tpu.memref_slice %arg6[%run_scoped3A_206, %dma_start3A_368] : memref<16x128xi32, #tpu.memory_space<vmem>> -> memref<1x128xi32, #tpu.memory_space<vmem>>
        %dma_start3A_370 = tpu.memref_squeeze %dma_start3A_369 : memref<1x128xi32, #tpu.memory_space<vmem>> -> memref<128xi32, #tpu.memory_space<vmem>>
        %dma_start3A_371 = arith.constant 0 : i32
        %dma_start3A_372 = arith.constant 0 : i32
        %dma_start3A_373 = tpu.memref_slice %arg5[%dma_start3A_371, %dma_start3A_372] : memref<10240x128xf32, #tpu.memory_space<vmem_shared>> -> memref<10240x128xf32, #tpu.memory_space<vmem_shared>>
        tpu.enqueue_indirect_dma source(%arg9 : memref<128x128xf32, #tpu.memory_space<vmem>>) target(%dma_start3A_373 : memref<10240x128xf32, #tpu.memory_space<vmem_shared>>) offsets(%dma_start3A_370 : memref<128xi32, #tpu.memory_space<vmem>>) semaphore(%run_scoped3A_367 : memref<!tpu.dma_semaphore, #tpu.memory_space<semaphore_mem>>) {add = true}
        %dma_wait3A_374 = arith.constant 0 : i32
        %dma_wait3A_375 = tpu.memref_slice %arg6[%run_scoped3A_206, %dma_wait3A_374] : memref<16x128xi32, #tpu.memory_space<vmem>> -> memref<1x128xi32, #tpu.memory_space<vmem>>
        %dma_wait3A_376 = tpu.memref_squeeze %dma_wait3A_375 : memref<1x128xi32, #tpu.memory_space<vmem>> -> memref<128xi32, #tpu.memory_space<vmem>>
        %dma_wait3A_377 = arith.constant 0 : i32
        %dma_wait3A_378 = arith.constant 0 : i32
        %dma_wait3A_379 = tpu.memref_slice %arg5[%dma_wait3A_377, %dma_wait3A_378] : memref<10240x128xf32, #tpu.memory_space<vmem_shared>> -> memref<10240x128xf32, #tpu.memory_space<vmem_shared>>
        tpu.wait_indirect_dma semaphore(%run_scoped3A_367 : memref<!tpu.dma_semaphore, #tpu.memory_space<semaphore_mem>>) src(%arg9 : memref<128x128xf32, #tpu.memory_space<vmem>>) dst(%dma_wait3A_379 : memref<10240x128xf32, #tpu.memory_space<vmem_shared>>)
        tpu.yield
      }) : () -> ()
      %dma_start3A_207 = arith.constant 2 : i32
      %dma_start3A_208 = arith.constant 0 : i32
      %dma_start3A_209 = tpu.memref_slice %arg7[%dma_start3A_207, %dma_start3A_208] : memref<16x128xi32, #tpu.memory_space<vmem>> -> memref<1x128xi32, #tpu.memory_space<vmem>>
      %dma_start3A_210 = tpu.memref_squeeze %dma_start3A_209 : memref<1x128xi32, #tpu.memory_space<vmem>> -> memref<128xi32, #tpu.memory_space<vmem>>
      %dma_start3A_211 = arith.constant 0 : i32
      %dma_start3A_212 = arith.constant 0 : i32
      %dma_start3A_213 = tpu.memref_slice %arg2[%dma_start3A_211, %dma_start3A_212] : memref<10240x128xf32, #tpu.memory_space<hbm>> -> memref<10240x128xf32, #tpu.memory_space<hbm>>
      tpu.enqueue_indirect_dma source(%dma_start3A_213 : memref<10240x128xf32, #tpu.memory_space<hbm>>) target(%arg9 : memref<128x128xf32, #tpu.memory_space<vmem>>) offsets(%dma_start3A_210 : memref<128xi32, #tpu.memory_space<vmem>>) semaphore(%arg13 : memref<!tpu.dma_semaphore, #tpu.memory_space<semaphore_mem>>)
      %mul3A_214 = arith.constant 2 : i32
      %mul3A_215 = arith.muli %mul3A_214, %scan3A_85 : i32
      %add3A_216 = arith.constant 2 : i32
      %add3A_217 = arith.addi %mul3A_215, %add3A_216 : i32
      %mul3A_218 = arith.constant 16 : i32
      %mul3A_219 = arith.muli %add3A_217, %mul3A_218 : i32
      %dma_start3A_220 = arith.constant 0 : i32
      %dma_start3A_221 = tpu.memref_slice %arg3[%add3A, %mul3A_219, %dma_start3A_220] : memref<32x192x128xi32, #tpu.memory_space<hbm>> -> memref<1x16x128xi32, #tpu.memory_space<hbm>>
      %dma_start3A_222 = tpu.memref_squeeze %dma_start3A_221 : memref<1x16x128xi32, #tpu.memory_space<hbm>> -> memref<16x128xi32, #tpu.memory_space<hbm>>
      %dma_start3A_223 = arith.constant 0 : i32
      %dma_start3A_224 = tpu.memref_slice %arg3[%add3A, %mul3A_219, %dma_start3A_223] : memref<32x192x128xi32, #tpu.memory_space<hbm>> -> memref<1x16x128xi32, #tpu.memory_space<hbm>>
      %dma_start3A_225 = tpu.memref_squeeze %dma_start3A_224 : memref<1x16x128xi32, #tpu.memory_space<hbm>> -> memref<16x128xi32, #tpu.memory_space<hbm>>
      tpu.enqueue_dma source(%dma_start3A_225 : memref<16x128xi32, #tpu.memory_space<hbm>>) target(%arg6 : memref<16x128xi32, #tpu.memory_space<vmem>>) target_semaphore(%arg10 : memref<!tpu.dma_semaphore, #tpu.memory_space<semaphore_mem>>)
      %dma_wait3A_226 = arith.constant 0 : i32
      %dma_wait3A_227 = arith.constant 0 : i32
      %dma_wait3A_228 = tpu.memref_slice %arg7[%dma_wait3A_226, %dma_wait3A_227] : memref<16x128xi32, #tpu.memory_space<vmem>> -> memref<1x128xi32, #tpu.memory_space<vmem>>
      %dma_wait3A_229 = tpu.memref_squeeze %dma_wait3A_228 : memref<1x128xi32, #tpu.memory_space<vmem>> -> memref<128xi32, #tpu.memory_space<vmem>>
      %dma_wait3A_230 = arith.constant 0 : i32
      %dma_wait3A_231 = arith.constant 0 : i32
      %dma_wait3A_232 = tpu.memref_slice %arg2[%dma_wait3A_230, %dma_wait3A_231] : memref<10240x128xf32, #tpu.memory_space<hbm>> -> memref<10240x128xf32, #tpu.memory_space<hbm>>
      tpu.wait_indirect_dma semaphore(%arg12 : memref<!tpu.dma_semaphore, #tpu.memory_space<semaphore_mem>>) src(%dma_wait3A_232 : memref<10240x128xf32, #tpu.memory_space<hbm>>) dst(%arg8 : memref<128x128xf32, #tpu.memory_space<vmem>>)
      %run_scoped3A_233 = arith.constant 1 : i32
      "tpu.region"() ({
        %run_scoped3A_367 = tpu.sem_alloc : memref<!tpu.dma_semaphore, #tpu.memory_space<semaphore_mem>>
        %dma_start3A_368 = arith.constant 0 : i32
        %dma_start3A_369 = tpu.memref_slice %arg7[%run_scoped3A_233, %dma_start3A_368] : memref<16x128xi32, #tpu.memory_space<vmem>> -> memref<1x128xi32, #tpu.memory_space<vmem>>
        %dma_start3A_370 = tpu.memref_squeeze %dma_start3A_369 : memref<1x128xi32, #tpu.memory_space<vmem>> -> memref<128xi32, #tpu.memory_space<vmem>>
        %dma_start3A_371 = arith.constant 0 : i32
        %dma_start3A_372 = arith.constant 0 : i32
        %dma_start3A_373 = tpu.memref_slice %arg5[%dma_start3A_371, %dma_start3A_372] : memref<10240x128xf32, #tpu.memory_space<vmem_shared>> -> memref<10240x128xf32, #tpu.memory_space<vmem_shared>>
        tpu.enqueue_indirect_dma source(%arg8 : memref<128x128xf32, #tpu.memory_space<vmem>>) target(%dma_start3A_373 : memref<10240x128xf32, #tpu.memory_space<vmem_shared>>) offsets(%dma_start3A_370 : memref<128xi32, #tpu.memory_space<vmem>>) semaphore(%run_scoped3A_367 : memref<!tpu.dma_semaphore, #tpu.memory_space<semaphore_mem>>) {add = true}
        %dma_wait3A_374 = arith.constant 0 : i32
        %dma_wait3A_375 = tpu.memref_slice %arg7[%run_scoped3A_233, %dma_wait3A_374] : memref<16x128xi32, #tpu.memory_space<vmem>> -> memref<1x128xi32, #tpu.memory_space<vmem>>
        %dma_wait3A_376 = tpu.memref_squeeze %dma_wait3A_375 : memref<1x128xi32, #tpu.memory_space<vmem>> -> memref<128xi32, #tpu.memory_space<vmem>>
        %dma_wait3A_377 = arith.constant 0 : i32
        %dma_wait3A_378 = arith.constant 0 : i32
        %dma_wait3A_379 = tpu.memref_slice %arg5[%dma_wait3A_377, %dma_wait3A_378] : memref<10240x128xf32, #tpu.memory_space<vmem_shared>> -> memref<10240x128xf32, #tpu.memory_space<vmem_shared>>
        tpu.wait_indirect_dma semaphore(%run_scoped3A_367 : memref<!tpu.dma_semaphore, #tpu.memory_space<semaphore_mem>>) src(%arg8 : memref<128x128xf32, #tpu.memory_space<vmem>>) dst(%dma_wait3A_379 : memref<10240x128xf32, #tpu.memory_space<vmem_shared>>)
        tpu.yield
      }) : () -> ()
      %dma_start3A_234 = arith.constant 4 : i32
      %dma_start3A_235 = arith.constant 0 : i32
      %dma_start3A_236 = tpu.memref_slice %arg7[%dma_start3A_234, %dma_start3A_235] : memref<16x128xi32, #tpu.memory_space<vmem>> -> memref<1x128xi32, #tpu.memory_space<vmem>>
      %dma_start3A_237 = tpu.memref_squeeze %dma_start3A_236 : memref<1x128xi32, #tpu.memory_space<vmem>> -> memref<128xi32, #tpu.memory_space<vmem>>
      %dma_start3A_238 = arith.constant 0 : i32
      %dma_start3A_239 = arith.constant 0 : i32
      %dma_start3A_240 = tpu.memref_slice %arg2[%dma_start3A_238, %dma_start3A_239] : memref<10240x128xf32, #tpu.memory_space<hbm>> -> memref<10240x128xf32, #tpu.memory_space<hbm>>
      tpu.enqueue_indirect_dma source(%dma_start3A_240 : memref<10240x128xf32, #tpu.memory_space<hbm>>) target(%arg8 : memref<128x128xf32, #tpu.memory_space<vmem>>) offsets(%dma_start3A_237 : memref<128xi32, #tpu.memory_space<vmem>>) semaphore(%arg12 : memref<!tpu.dma_semaphore, #tpu.memory_space<semaphore_mem>>)
      %dma_wait3A_241 = arith.constant 0 : i32
      %dma_wait3A_242 = arith.constant 0 : i32
      %dma_wait3A_243 = tpu.memref_slice %arg7[%dma_wait3A_241, %dma_wait3A_242] : memref<16x128xi32, #tpu.memory_space<vmem>> -> memref<1x128xi32, #tpu.memory_space<vmem>>
      %dma_wait3A_244 = tpu.memref_squeeze %dma_wait3A_243 : memref<1x128xi32, #tpu.memory_space<vmem>> -> memref<128xi32, #tpu.memory_space<vmem>>
      %dma_wait3A_245 = arith.constant 0 : i32
      %dma_wait3A_246 = arith.constant 0 : i32
      %dma_wait3A_247 = tpu.memref_slice %arg2[%dma_wait3A_245, %dma_wait3A_246] : memref<10240x128xf32, #tpu.memory_space<hbm>> -> memref<10240x128xf32, #tpu.memory_space<hbm>>
      tpu.wait_indirect_dma semaphore(%arg13 : memref<!tpu.dma_semaphore, #tpu.memory_space<semaphore_mem>>) src(%dma_wait3A_247 : memref<10240x128xf32, #tpu.memory_space<hbm>>) dst(%arg9 : memref<128x128xf32, #tpu.memory_space<vmem>>)
      %run_scoped3A_248 = arith.constant 3 : i32
      "tpu.region"() ({
        %run_scoped3A_367 = tpu.sem_alloc : memref<!tpu.dma_semaphore, #tpu.memory_space<semaphore_mem>>
        %dma_start3A_368 = arith.constant 0 : i32
        %dma_start3A_369 = tpu.memref_slice %arg7[%run_scoped3A_248, %dma_start3A_368] : memref<16x128xi32, #tpu.memory_space<vmem>> -> memref<1x128xi32, #tpu.memory_space<vmem>>
        %dma_start3A_370 = tpu.memref_squeeze %dma_start3A_369 : memref<1x128xi32, #tpu.memory_space<vmem>> -> memref<128xi32, #tpu.memory_space<vmem>>
        %dma_start3A_371 = arith.constant 0 : i32
        %dma_start3A_372 = arith.constant 0 : i32
        %dma_start3A_373 = tpu.memref_slice %arg5[%dma_start3A_371, %dma_start3A_372] : memref<10240x128xf32, #tpu.memory_space<vmem_shared>> -> memref<10240x128xf32, #tpu.memory_space<vmem_shared>>
        tpu.enqueue_indirect_dma source(%arg9 : memref<128x128xf32, #tpu.memory_space<vmem>>) target(%dma_start3A_373 : memref<10240x128xf32, #tpu.memory_space<vmem_shared>>) offsets(%dma_start3A_370 : memref<128xi32, #tpu.memory_space<vmem>>) semaphore(%run_scoped3A_367 : memref<!tpu.dma_semaphore, #tpu.memory_space<semaphore_mem>>) {add = true}
        %dma_wait3A_374 = arith.constant 0 : i32
        %dma_wait3A_375 = tpu.memref_slice %arg7[%run_scoped3A_248, %dma_wait3A_374] : memref<16x128xi32, #tpu.memory_space<vmem>> -> memref<1x128xi32, #tpu.memory_space<vmem>>
        %dma_wait3A_376 = tpu.memref_squeeze %dma_wait3A_375 : memref<1x128xi32, #tpu.memory_space<vmem>> -> memref<128xi32, #tpu.memory_space<vmem>>
        %dma_wait3A_377 = arith.constant 0 : i32
        %dma_wait3A_378 = arith.constant 0 : i32
        %dma_wait3A_379 = tpu.memref_slice %arg5[%dma_wait3A_377, %dma_wait3A_378] : memref<10240x128xf32, #tpu.memory_space<vmem_shared>> -> memref<10240x128xf32, #tpu.memory_space<vmem_shared>>
        tpu.wait_indirect_dma semaphore(%run_scoped3A_367 : memref<!tpu.dma_semaphore, #tpu.memory_space<semaphore_mem>>) src(%arg9 : memref<128x128xf32, #tpu.memory_space<vmem>>) dst(%dma_wait3A_379 : memref<10240x128xf32, #tpu.memory_space<vmem_shared>>)
        tpu.yield
      }) : () -> ()
      %dma_start3A_249 = arith.constant 6 : i32
      %dma_start3A_250 = arith.constant 0 : i32
      %dma_start3A_251 = tpu.memref_slice %arg7[%dma_start3A_249, %dma_start3A_250] : memref<16x128xi32, #tpu.memory_space<vmem>> -> memref<1x128xi32, #tpu.memory_space<vmem>>
      %dma_start3A_252 = tpu.memref_squeeze %dma_start3A_251 : memref<1x128xi32, #tpu.memory_space<vmem>> -> memref<128xi32, #tpu.memory_space<vmem>>
      %dma_start3A_253 = arith.constant 0 : i32
      %dma_start3A_254 = arith.constant 0 : i32
      %dma_start3A_255 = tpu.memref_slice %arg2[%dma_start3A_253, %dma_start3A_254] : memref<10240x128xf32, #tpu.memory_space<hbm>> -> memref<10240x128xf32, #tpu.memory_space<hbm>>
      tpu.enqueue_indirect_dma source(%dma_start3A_255 : memref<10240x128xf32, #tpu.memory_space<hbm>>) target(%arg9 : memref<128x128xf32, #tpu.memory_space<vmem>>) offsets(%dma_start3A_252 : memref<128xi32, #tpu.memory_space<vmem>>) semaphore(%arg13 : memref<!tpu.dma_semaphore, #tpu.memory_space<semaphore_mem>>)
      %dma_wait3A_256 = arith.constant 0 : i32
      %dma_wait3A_257 = arith.constant 0 : i32
      %dma_wait3A_258 = tpu.memref_slice %arg7[%dma_wait3A_256, %dma_wait3A_257] : memref<16x128xi32, #tpu.memory_space<vmem>> -> memref<1x128xi32, #tpu.memory_space<vmem>>
      %dma_wait3A_259 = tpu.memref_squeeze %dma_wait3A_258 : memref<1x128xi32, #tpu.memory_space<vmem>> -> memref<128xi32, #tpu.memory_space<vmem>>
      %dma_wait3A_260 = arith.constant 0 : i32
      %dma_wait3A_261 = arith.constant 0 : i32
      %dma_wait3A_262 = tpu.memref_slice %arg2[%dma_wait3A_260, %dma_wait3A_261] : memref<10240x128xf32, #tpu.memory_space<hbm>> -> memref<10240x128xf32, #tpu.memory_space<hbm>>
      tpu.wait_indirect_dma semaphore(%arg12 : memref<!tpu.dma_semaphore, #tpu.memory_space<semaphore_mem>>) src(%dma_wait3A_262 : memref<10240x128xf32, #tpu.memory_space<hbm>>) dst(%arg8 : memref<128x128xf32, #tpu.memory_space<vmem>>)
      %run_scoped3A_263 = arith.constant 5 : i32
      "tpu.region"() ({
        %run_scoped3A_367 = tpu.sem_alloc : memref<!tpu.dma_semaphore, #tpu.memory_space<semaphore_mem>>
        %dma_start3A_368 = arith.constant 0 : i32
        %dma_start3A_369 = tpu.memref_slice %arg7[%run_scoped3A_263, %dma_start3A_368] : memref<16x128xi32, #tpu.memory_space<vmem>> -> memref<1x128xi32, #tpu.memory_space<vmem>>
        %dma_start3A_370 = tpu.memref_squeeze %dma_start3A_369 : memref<1x128xi32, #tpu.memory_space<vmem>> -> memref<128xi32, #tpu.memory_space<vmem>>
        %dma_start3A_371 = arith.constant 0 : i32
        %dma_start3A_372 = arith.constant 0 : i32
        %dma_start3A_373 = tpu.memref_slice %arg5[%dma_start3A_371, %dma_start3A_372] : memref<10240x128xf32, #tpu.memory_space<vmem_shared>> -> memref<10240x128xf32, #tpu.memory_space<vmem_shared>>
        tpu.enqueue_indirect_dma source(%arg8 : memref<128x128xf32, #tpu.memory_space<vmem>>) target(%dma_start3A_373 : memref<10240x128xf32, #tpu.memory_space<vmem_shared>>) offsets(%dma_start3A_370 : memref<128xi32, #tpu.memory_space<vmem>>) semaphore(%run_scoped3A_367 : memref<!tpu.dma_semaphore, #tpu.memory_space<semaphore_mem>>) {add = true}
        %dma_wait3A_374 = arith.constant 0 : i32
        %dma_wait3A_375 = tpu.memref_slice %arg7[%run_scoped3A_263, %dma_wait3A_374] : memref<16x128xi32, #tpu.memory_space<vmem>> -> memref<1x128xi32, #tpu.memory_space<vmem>>
        %dma_wait3A_376 = tpu.memref_squeeze %dma_wait3A_375 : memref<1x128xi32, #tpu.memory_space<vmem>> -> memref<128xi32, #tpu.memory_space<vmem>>
        %dma_wait3A_377 = arith.constant 0 : i32
        %dma_wait3A_378 = arith.constant 0 : i32
        %dma_wait3A_379 = tpu.memref_slice %arg5[%dma_wait3A_377, %dma_wait3A_378] : memref<10240x128xf32, #tpu.memory_space<vmem_shared>> -> memref<10240x128xf32, #tpu.memory_space<vmem_shared>>
        tpu.wait_indirect_dma semaphore(%run_scoped3A_367 : memref<!tpu.dma_semaphore, #tpu.memory_space<semaphore_mem>>) src(%arg8 : memref<128x128xf32, #tpu.memory_space<vmem>>) dst(%dma_wait3A_379 : memref<10240x128xf32, #tpu.memory_space<vmem_shared>>)
        tpu.yield
      }) : () -> ()
      %dma_start3A_264 = arith.constant 8 : i32
      %dma_start3A_265 = arith.constant 0 : i32
      %dma_start3A_266 = tpu.memref_slice %arg7[%dma_start3A_264, %dma_start3A_265] : memref<16x128xi32, #tpu.memory_space<vmem>> -> memref<1x128xi32, #tpu.memory_space<vmem>>
      %dma_start3A_267 = tpu.memref_squeeze %dma_start3A_266 : memref<1x128xi32, #tpu.memory_space<vmem>> -> memref<128xi32, #tpu.memory_space<vmem>>
      %dma_start3A_268 = arith.constant 0 : i32
      %dma_start3A_269 = arith.constant 0 : i32
      %dma_start3A_270 = tpu.memref_slice %arg2[%dma_start3A_268, %dma_start3A_269] : memref<10240x128xf32, #tpu.memory_space<hbm>> -> memref<10240x128xf32, #tpu.memory_space<hbm>>
      tpu.enqueue_indirect_dma source(%dma_start3A_270 : memref<10240x128xf32, #tpu.memory_space<hbm>>) target(%arg8 : memref<128x128xf32, #tpu.memory_space<vmem>>) offsets(%dma_start3A_267 : memref<128xi32, #tpu.memory_space<vmem>>) semaphore(%arg12 : memref<!tpu.dma_semaphore, #tpu.memory_space<semaphore_mem>>)
      %dma_wait3A_271 = arith.constant 0 : i32
      %dma_wait3A_272 = arith.constant 0 : i32
      %dma_wait3A_273 = tpu.memref_slice %arg7[%dma_wait3A_271, %dma_wait3A_272] : memref<16x128xi32, #tpu.memory_space<vmem>> -> memref<1x128xi32, #tpu.memory_space<vmem>>
      %dma_wait3A_274 = tpu.memref_squeeze %dma_wait3A_273 : memref<1x128xi32, #tpu.memory_space<vmem>> -> memref<128xi32, #tpu.memory_space<vmem>>
      %dma_wait3A_275 = arith.constant 0 : i32
      %dma_wait3A_276 = arith.constant 0 : i32
      %dma_wait3A_277 = tpu.memref_slice %arg2[%dma_wait3A_275, %dma_wait3A_276] : memref<10240x128xf32, #tpu.memory_space<hbm>> -> memref<10240x128xf32, #tpu.memory_space<hbm>>
      tpu.wait_indirect_dma semaphore(%arg13 : memref<!tpu.dma_semaphore, #tpu.memory_space<semaphore_mem>>) src(%dma_wait3A_277 : memref<10240x128xf32, #tpu.memory_space<hbm>>) dst(%arg9 : memref<128x128xf32, #tpu.memory_space<vmem>>)
      %run_scoped3A_278 = arith.constant 7 : i32
      "tpu.region"() ({
        %run_scoped3A_367 = tpu.sem_alloc : memref<!tpu.dma_semaphore, #tpu.memory_space<semaphore_mem>>
        %dma_start3A_368 = arith.constant 0 : i32
        %dma_start3A_369 = tpu.memref_slice %arg7[%run_scoped3A_278, %dma_start3A_368] : memref<16x128xi32, #tpu.memory_space<vmem>> -> memref<1x128xi32, #tpu.memory_space<vmem>>
        %dma_start3A_370 = tpu.memref_squeeze %dma_start3A_369 : memref<1x128xi32, #tpu.memory_space<vmem>> -> memref<128xi32, #tpu.memory_space<vmem>>
        %dma_start3A_371 = arith.constant 0 : i32
        %dma_start3A_372 = arith.constant 0 : i32
        %dma_start3A_373 = tpu.memref_slice %arg5[%dma_start3A_371, %dma_start3A_372] : memref<10240x128xf32, #tpu.memory_space<vmem_shared>> -> memref<10240x128xf32, #tpu.memory_space<vmem_shared>>
        tpu.enqueue_indirect_dma source(%arg9 : memref<128x128xf32, #tpu.memory_space<vmem>>) target(%dma_start3A_373 : memref<10240x128xf32, #tpu.memory_space<vmem_shared>>) offsets(%dma_start3A_370 : memref<128xi32, #tpu.memory_space<vmem>>) semaphore(%run_scoped3A_367 : memref<!tpu.dma_semaphore, #tpu.memory_space<semaphore_mem>>) {add = true}
        %dma_wait3A_374 = arith.constant 0 : i32
        %dma_wait3A_375 = tpu.memref_slice %arg7[%run_scoped3A_278, %dma_wait3A_374] : memref<16x128xi32, #tpu.memory_space<vmem>> -> memref<1x128xi32, #tpu.memory_space<vmem>>
        %dma_wait3A_376 = tpu.memref_squeeze %dma_wait3A_375 : memref<1x128xi32, #tpu.memory_space<vmem>> -> memref<128xi32, #tpu.memory_space<vmem>>
        %dma_wait3A_377 = arith.constant 0 : i32
        %dma_wait3A_378 = arith.constant 0 : i32
        %dma_wait3A_379 = tpu.memref_slice %arg5[%dma_wait3A_377, %dma_wait3A_378] : memref<10240x128xf32, #tpu.memory_space<vmem_shared>> -> memref<10240x128xf32, #tpu.memory_space<vmem_shared>>
        tpu.wait_indirect_dma semaphore(%run_scoped3A_367 : memref<!tpu.dma_semaphore, #tpu.memory_space<semaphore_mem>>) src(%arg9 : memref<128x128xf32, #tpu.memory_space<vmem>>) dst(%dma_wait3A_379 : memref<10240x128xf32, #tpu.memory_space<vmem_shared>>)
        tpu.yield
      }) : () -> ()
      %dma_start3A_279 = arith.constant 10 : i32
      %dma_start3A_280 = arith.constant 0 : i32
      %dma_start3A_281 = tpu.memref_slice %arg7[%dma_start3A_279, %dma_start3A_280] : memref<16x128xi32, #tpu.memory_space<vmem>> -> memref<1x128xi32, #tpu.memory_space<vmem>>
      %dma_start3A_282 = tpu.memref_squeeze %dma_start3A_281 : memref<1x128xi32, #tpu.memory_space<vmem>> -> memref<128xi32, #tpu.memory_space<vmem>>
      %dma_start3A_283 = arith.constant 0 : i32
      %dma_start3A_284 = arith.constant 0 : i32
      %dma_start3A_285 = tpu.memref_slice %arg2[%dma_start3A_283, %dma_start3A_284] : memref<10240x128xf32, #tpu.memory_space<hbm>> -> memref<10240x128xf32, #tpu.memory_space<hbm>>
      tpu.enqueue_indirect_dma source(%dma_start3A_285 : memref<10240x128xf32, #tpu.memory_space<hbm>>) target(%arg9 : memref<128x128xf32, #tpu.memory_space<vmem>>) offsets(%dma_start3A_282 : memref<128xi32, #tpu.memory_space<vmem>>) semaphore(%arg13 : memref<!tpu.dma_semaphore, #tpu.memory_space<semaphore_mem>>)
      %dma_wait3A_286 = arith.constant 0 : i32
      %dma_wait3A_287 = arith.constant 0 : i32
      %dma_wait3A_288 = tpu.memref_slice %arg7[%dma_wait3A_286, %dma_wait3A_287] : memref<16x128xi32, #tpu.memory_space<vmem>> -> memref<1x128xi32, #tpu.memory_space<vmem>>
      %dma_wait3A_289 = tpu.memref_squeeze %dma_wait3A_288 : memref<1x128xi32, #tpu.memory_space<vmem>> -> memref<128xi32, #tpu.memory_space<vmem>>
      %dma_wait3A_290 = arith.constant 0 : i32
      %dma_wait3A_291 = arith.constant 0 : i32
      %dma_wait3A_292 = tpu.memref_slice %arg2[%dma_wait3A_290, %dma_wait3A_291] : memref<10240x128xf32, #tpu.memory_space<hbm>> -> memref<10240x128xf32, #tpu.memory_space<hbm>>
      tpu.wait_indirect_dma semaphore(%arg12 : memref<!tpu.dma_semaphore, #tpu.memory_space<semaphore_mem>>) src(%dma_wait3A_292 : memref<10240x128xf32, #tpu.memory_space<hbm>>) dst(%arg8 : memref<128x128xf32, #tpu.memory_space<vmem>>)
      %run_scoped3A_293 = arith.constant 9 : i32
      "tpu.region"() ({
        %run_scoped3A_367 = tpu.sem_alloc : memref<!tpu.dma_semaphore, #tpu.memory_space<semaphore_mem>>
        %dma_start3A_368 = arith.constant 0 : i32
        %dma_start3A_369 = tpu.memref_slice %arg7[%run_scoped3A_293, %dma_start3A_368] : memref<16x128xi32, #tpu.memory_space<vmem>> -> memref<1x128xi32, #tpu.memory_space<vmem>>
        %dma_start3A_370 = tpu.memref_squeeze %dma_start3A_369 : memref<1x128xi32, #tpu.memory_space<vmem>> -> memref<128xi32, #tpu.memory_space<vmem>>
        %dma_start3A_371 = arith.constant 0 : i32
        %dma_start3A_372 = arith.constant 0 : i32
        %dma_start3A_373 = tpu.memref_slice %arg5[%dma_start3A_371, %dma_start3A_372] : memref<10240x128xf32, #tpu.memory_space<vmem_shared>> -> memref<10240x128xf32, #tpu.memory_space<vmem_shared>>
        tpu.enqueue_indirect_dma source(%arg8 : memref<128x128xf32, #tpu.memory_space<vmem>>) target(%dma_start3A_373 : memref<10240x128xf32, #tpu.memory_space<vmem_shared>>) offsets(%dma_start3A_370 : memref<128xi32, #tpu.memory_space<vmem>>) semaphore(%run_scoped3A_367 : memref<!tpu.dma_semaphore, #tpu.memory_space<semaphore_mem>>) {add = true}
        %dma_wait3A_374 = arith.constant 0 : i32
        %dma_wait3A_375 = tpu.memref_slice %arg7[%run_scoped3A_293, %dma_wait3A_374] : memref<16x128xi32, #tpu.memory_space<vmem>> -> memref<1x128xi32, #tpu.memory_space<vmem>>
        %dma_wait3A_376 = tpu.memref_squeeze %dma_wait3A_375 : memref<1x128xi32, #tpu.memory_space<vmem>> -> memref<128xi32, #tpu.memory_space<vmem>>
        %dma_wait3A_377 = arith.constant 0 : i32
        %dma_wait3A_378 = arith.constant 0 : i32
        %dma_wait3A_379 = tpu.memref_slice %arg5[%dma_wait3A_377, %dma_wait3A_378] : memref<10240x128xf32, #tpu.memory_space<vmem_shared>> -> memref<10240x128xf32, #tpu.memory_space<vmem_shared>>
        tpu.wait_indirect_dma semaphore(%run_scoped3A_367 : memref<!tpu.dma_semaphore, #tpu.memory_space<semaphore_mem>>) src(%arg8 : memref<128x128xf32, #tpu.memory_space<vmem>>) dst(%dma_wait3A_379 : memref<10240x128xf32, #tpu.memory_space<vmem_shared>>)
        tpu.yield
      }) : () -> ()
      %dma_start3A_294 = arith.constant 12 : i32
      %dma_start3A_295 = arith.constant 0 : i32
      %dma_start3A_296 = tpu.memref_slice %arg7[%dma_start3A_294, %dma_start3A_295] : memref<16x128xi32, #tpu.memory_space<vmem>> -> memref<1x128xi32, #tpu.memory_space<vmem>>
      %dma_start3A_297 = tpu.memref_squeeze %dma_start3A_296 : memref<1x128xi32, #tpu.memory_space<vmem>> -> memref<128xi32, #tpu.memory_space<vmem>>
      %dma_start3A_298 = arith.constant 0 : i32
      %dma_start3A_299 = arith.constant 0 : i32
      %dma_start3A_300 = tpu.memref_slice %arg2[%dma_start3A_298, %dma_start3A_299] : memref<10240x128xf32, #tpu.memory_space<hbm>> -> memref<10240x128xf32, #tpu.memory_space<hbm>>
      tpu.enqueue_indirect_dma source(%dma_start3A_300 : memref<10240x128xf32, #tpu.memory_space<hbm>>) target(%arg8 : memref<128x128xf32, #tpu.memory_space<vmem>>) offsets(%dma_start3A_297 : memref<128xi32, #tpu.memory_space<vmem>>) semaphore(%arg12 : memref<!tpu.dma_semaphore, #tpu.memory_space<semaphore_mem>>)
      %dma_wait3A_301 = arith.constant 0 : i32
      %dma_wait3A_302 = arith.constant 0 : i32
      %dma_wait3A_303 = tpu.memref_slice %arg7[%dma_wait3A_301, %dma_wait3A_302] : memref<16x128xi32, #tpu.memory_space<vmem>> -> memref<1x128xi32, #tpu.memory_space<vmem>>
      %dma_wait3A_304 = tpu.memref_squeeze %dma_wait3A_303 : memref<1x128xi32, #tpu.memory_space<vmem>> -> memref<128xi32, #tpu.memory_space<vmem>>
      %dma_wait3A_305 = arith.constant 0 : i32
      %dma_wait3A_306 = arith.constant 0 : i32
      %dma_wait3A_307 = tpu.memref_slice %arg2[%dma_wait3A_305, %dma_wait3A_306] : memref<10240x128xf32, #tpu.memory_space<hbm>> -> memref<10240x128xf32, #tpu.memory_space<hbm>>
      tpu.wait_indirect_dma semaphore(%arg13 : memref<!tpu.dma_semaphore, #tpu.memory_space<semaphore_mem>>) src(%dma_wait3A_307 : memref<10240x128xf32, #tpu.memory_space<hbm>>) dst(%arg9 : memref<128x128xf32, #tpu.memory_space<vmem>>)
      %run_scoped3A_308 = arith.constant 11 : i32
      "tpu.region"() ({
        %run_scoped3A_367 = tpu.sem_alloc : memref<!tpu.dma_semaphore, #tpu.memory_space<semaphore_mem>>
        %dma_start3A_368 = arith.constant 0 : i32
        %dma_start3A_369 = tpu.memref_slice %arg7[%run_scoped3A_308, %dma_start3A_368] : memref<16x128xi32, #tpu.memory_space<vmem>> -> memref<1x128xi32, #tpu.memory_space<vmem>>
        %dma_start3A_370 = tpu.memref_squeeze %dma_start3A_369 : memref<1x128xi32, #tpu.memory_space<vmem>> -> memref<128xi32, #tpu.memory_space<vmem>>
        %dma_start3A_371 = arith.constant 0 : i32
        %dma_start3A_372 = arith.constant 0 : i32
        %dma_start3A_373 = tpu.memref_slice %arg5[%dma_start3A_371, %dma_start3A_372] : memref<10240x128xf32, #tpu.memory_space<vmem_shared>> -> memref<10240x128xf32, #tpu.memory_space<vmem_shared>>
        tpu.enqueue_indirect_dma source(%arg9 : memref<128x128xf32, #tpu.memory_space<vmem>>) target(%dma_start3A_373 : memref<10240x128xf32, #tpu.memory_space<vmem_shared>>) offsets(%dma_start3A_370 : memref<128xi32, #tpu.memory_space<vmem>>) semaphore(%run_scoped3A_367 : memref<!tpu.dma_semaphore, #tpu.memory_space<semaphore_mem>>) {add = true}
        %dma_wait3A_374 = arith.constant 0 : i32
        %dma_wait3A_375 = tpu.memref_slice %arg7[%run_scoped3A_308, %dma_wait3A_374] : memref<16x128xi32, #tpu.memory_space<vmem>> -> memref<1x128xi32, #tpu.memory_space<vmem>>
        %dma_wait3A_376 = tpu.memref_squeeze %dma_wait3A_375 : memref<1x128xi32, #tpu.memory_space<vmem>> -> memref<128xi32, #tpu.memory_space<vmem>>
        %dma_wait3A_377 = arith.constant 0 : i32
        %dma_wait3A_378 = arith.constant 0 : i32
        %dma_wait3A_379 = tpu.memref_slice %arg5[%dma_wait3A_377, %dma_wait3A_378] : memref<10240x128xf32, #tpu.memory_space<vmem_shared>> -> memref<10240x128xf32, #tpu.memory_space<vmem_shared>>
        tpu.wait_indirect_dma semaphore(%run_scoped3A_367 : memref<!tpu.dma_semaphore, #tpu.memory_space<semaphore_mem>>) src(%arg9 : memref<128x128xf32, #tpu.memory_space<vmem>>) dst(%dma_wait3A_379 : memref<10240x128xf32, #tpu.memory_space<vmem_shared>>)
        tpu.yield
      }) : () -> ()
      %dma_start3A_309 = arith.constant 14 : i32
      %dma_start3A_310 = arith.constant 0 : i32
      %dma_start3A_311 = tpu.memref_slice %arg7[%dma_start3A_309, %dma_start3A_310] : memref<16x128xi32, #tpu.memory_space<vmem>> -> memref<1x128xi32, #tpu.memory_space<vmem>>
      %dma_start3A_312 = tpu.memref_squeeze %dma_start3A_311 : memref<1x128xi32, #tpu.memory_space<vmem>> -> memref<128xi32, #tpu.memory_space<vmem>>
      %dma_start3A_313 = arith.constant 0 : i32
      %dma_start3A_314 = arith.constant 0 : i32
      %dma_start3A_315 = tpu.memref_slice %arg2[%dma_start3A_313, %dma_start3A_314] : memref<10240x128xf32, #tpu.memory_space<hbm>> -> memref<10240x128xf32, #tpu.memory_space<hbm>>
      tpu.enqueue_indirect_dma source(%dma_start3A_315 : memref<10240x128xf32, #tpu.memory_space<hbm>>) target(%arg9 : memref<128x128xf32, #tpu.memory_space<vmem>>) offsets(%dma_start3A_312 : memref<128xi32, #tpu.memory_space<vmem>>) semaphore(%arg13 : memref<!tpu.dma_semaphore, #tpu.memory_space<semaphore_mem>>)
      %dma_wait3A_316 = arith.constant 0 : i32
      %dma_wait3A_317 = arith.constant 0 : i32
      %dma_wait3A_318 = tpu.memref_slice %arg7[%dma_wait3A_316, %dma_wait3A_317] : memref<16x128xi32, #tpu.memory_space<vmem>> -> memref<1x128xi32, #tpu.memory_space<vmem>>
      %dma_wait3A_319 = tpu.memref_squeeze %dma_wait3A_318 : memref<1x128xi32, #tpu.memory_space<vmem>> -> memref<128xi32, #tpu.memory_space<vmem>>
      %dma_wait3A_320 = arith.constant 0 : i32
      %dma_wait3A_321 = arith.constant 0 : i32
      %dma_wait3A_322 = tpu.memref_slice %arg2[%dma_wait3A_320, %dma_wait3A_321] : memref<10240x128xf32, #tpu.memory_space<hbm>> -> memref<10240x128xf32, #tpu.memory_space<hbm>>
      tpu.wait_indirect_dma semaphore(%arg12 : memref<!tpu.dma_semaphore, #tpu.memory_space<semaphore_mem>>) src(%dma_wait3A_322 : memref<10240x128xf32, #tpu.memory_space<hbm>>) dst(%arg8 : memref<128x128xf32, #tpu.memory_space<vmem>>)
      %run_scoped3A_323 = arith.constant 13 : i32
      "tpu.region"() ({
        %run_scoped3A_367 = tpu.sem_alloc : memref<!tpu.dma_semaphore, #tpu.memory_space<semaphore_mem>>
        %dma_start3A_368 = arith.constant 0 : i32
        %dma_start3A_369 = tpu.memref_slice %arg7[%run_scoped3A_323, %dma_start3A_368] : memref<16x128xi32, #tpu.memory_space<vmem>> -> memref<1x128xi32, #tpu.memory_space<vmem>>
        %dma_start3A_370 = tpu.memref_squeeze %dma_start3A_369 : memref<1x128xi32, #tpu.memory_space<vmem>> -> memref<128xi32, #tpu.memory_space<vmem>>
        %dma_start3A_371 = arith.constant 0 : i32
        %dma_start3A_372 = arith.constant 0 : i32
        %dma_start3A_373 = tpu.memref_slice %arg5[%dma_start3A_371, %dma_start3A_372] : memref<10240x128xf32, #tpu.memory_space<vmem_shared>> -> memref<10240x128xf32, #tpu.memory_space<vmem_shared>>
        tpu.enqueue_indirect_dma source(%arg8 : memref<128x128xf32, #tpu.memory_space<vmem>>) target(%dma_start3A_373 : memref<10240x128xf32, #tpu.memory_space<vmem_shared>>) offsets(%dma_start3A_370 : memref<128xi32, #tpu.memory_space<vmem>>) semaphore(%run_scoped3A_367 : memref<!tpu.dma_semaphore, #tpu.memory_space<semaphore_mem>>) {add = true}
        %dma_wait3A_374 = arith.constant 0 : i32
        %dma_wait3A_375 = tpu.memref_slice %arg7[%run_scoped3A_323, %dma_wait3A_374] : memref<16x128xi32, #tpu.memory_space<vmem>> -> memref<1x128xi32, #tpu.memory_space<vmem>>
        %dma_wait3A_376 = tpu.memref_squeeze %dma_wait3A_375 : memref<1x128xi32, #tpu.memory_space<vmem>> -> memref<128xi32, #tpu.memory_space<vmem>>
        %dma_wait3A_377 = arith.constant 0 : i32
        %dma_wait3A_378 = arith.constant 0 : i32
        %dma_wait3A_379 = tpu.memref_slice %arg5[%dma_wait3A_377, %dma_wait3A_378] : memref<10240x128xf32, #tpu.memory_space<vmem_shared>> -> memref<10240x128xf32, #tpu.memory_space<vmem_shared>>
        tpu.wait_indirect_dma semaphore(%run_scoped3A_367 : memref<!tpu.dma_semaphore, #tpu.memory_space<semaphore_mem>>) src(%arg8 : memref<128x128xf32, #tpu.memory_space<vmem>>) dst(%dma_wait3A_379 : memref<10240x128xf32, #tpu.memory_space<vmem_shared>>)
        tpu.yield
      }) : () -> ()
      %dma_wait3A_324 = arith.constant 0 : i32
      %dma_wait3A_325 = arith.constant 0 : i32
      %dma_wait3A_326 = tpu.memref_slice %arg3[%add3A, %dma_wait3A_324, %dma_wait3A_325] : memref<32x192x128xi32, #tpu.memory_space<hbm>> -> memref<1x16x128xi32, #tpu.memory_space<hbm>>
      %dma_wait3A_327 = tpu.memref_squeeze %dma_wait3A_326 : memref<1x16x128xi32, #tpu.memory_space<hbm>> -> memref<16x128xi32, #tpu.memory_space<hbm>>
      %dma_wait3A_328 = arith.constant 0 : i32
      %dma_wait3A_329 = arith.constant 0 : i32
      %dma_wait3A_330 = tpu.memref_slice %arg3[%add3A, %dma_wait3A_328, %dma_wait3A_329] : memref<32x192x128xi32, #tpu.memory_space<hbm>> -> memref<1x16x128xi32, #tpu.memory_space<hbm>>
      %dma_wait3A_331 = tpu.memref_squeeze %dma_wait3A_330 : memref<1x16x128xi32, #tpu.memory_space<hbm>> -> memref<16x128xi32, #tpu.memory_space<hbm>>
      tpu.wait_dma2 semaphore(%arg10 : memref<!tpu.dma_semaphore, #tpu.memory_space<semaphore_mem>>) src(%dma_wait3A_331 : memref<16x128xi32, #tpu.memory_space<hbm>>) dst(%arg6 : memref<16x128xi32, #tpu.memory_space<vmem>>)
      %dma_start3A_332 = arith.constant 0 : i32
      %dma_start3A_333 = arith.constant 0 : i32
      %dma_start3A_334 = tpu.memref_slice %arg6[%dma_start3A_332, %dma_start3A_333] : memref<16x128xi32, #tpu.memory_space<vmem>> -> memref<1x128xi32, #tpu.memory_space<vmem>>
      %dma_start3A_335 = tpu.memref_squeeze %dma_start3A_334 : memref<1x128xi32, #tpu.memory_space<vmem>> -> memref<128xi32, #tpu.memory_space<vmem>>
      %dma_start3A_336 = arith.constant 0 : i32
      %dma_start3A_337 = arith.constant 0 : i32
      %dma_start3A_338 = tpu.memref_slice %arg2[%dma_start3A_336, %dma_start3A_337] : memref<10240x128xf32, #tpu.memory_space<hbm>> -> memref<10240x128xf32, #tpu.memory_space<hbm>>
      tpu.enqueue_indirect_dma source(%dma_start3A_338 : memref<10240x128xf32, #tpu.memory_space<hbm>>) target(%arg8 : memref<128x128xf32, #tpu.memory_space<vmem>>) offsets(%dma_start3A_335 : memref<128xi32, #tpu.memory_space<vmem>>) semaphore(%arg12 : memref<!tpu.dma_semaphore, #tpu.memory_space<semaphore_mem>>)
      %dma_wait3A_339 = arith.constant 0 : i32
      %dma_wait3A_340 = arith.constant 0 : i32
      %dma_wait3A_341 = tpu.memref_slice %arg7[%dma_wait3A_339, %dma_wait3A_340] : memref<16x128xi32, #tpu.memory_space<vmem>> -> memref<1x128xi32, #tpu.memory_space<vmem>>
      %dma_wait3A_342 = tpu.memref_squeeze %dma_wait3A_341 : memref<1x128xi32, #tpu.memory_space<vmem>> -> memref<128xi32, #tpu.memory_space<vmem>>
      %dma_wait3A_343 = arith.constant 0 : i32
      %dma_wait3A_344 = arith.constant 0 : i32
      %dma_wait3A_345 = tpu.memref_slice %arg2[%dma_wait3A_343, %dma_wait3A_344] : memref<10240x128xf32, #tpu.memory_space<hbm>> -> memref<10240x128xf32, #tpu.memory_space<hbm>>
      tpu.wait_indirect_dma semaphore(%arg13 : memref<!tpu.dma_semaphore, #tpu.memory_space<semaphore_mem>>) src(%dma_wait3A_345 : memref<10240x128xf32, #tpu.memory_space<hbm>>) dst(%arg9 : memref<128x128xf32, #tpu.memory_space<vmem>>)
      %run_scoped3A_346 = arith.constant 15 : i32
      "tpu.region"() ({
        %run_scoped3A_367 = tpu.sem_alloc : memref<!tpu.dma_semaphore, #tpu.memory_space<semaphore_mem>>
        %dma_start3A_368 = arith.constant 0 : i32
        %dma_start3A_369 = tpu.memref_slice %arg7[%run_scoped3A_346, %dma_start3A_368] : memref<16x128xi32, #tpu.memory_space<vmem>> -> memref<1x128xi32, #tpu.memory_space<vmem>>
        %dma_start3A_370 = tpu.memref_squeeze %dma_start3A_369 : memref<1x128xi32, #tpu.memory_space<vmem>> -> memref<128xi32, #tpu.memory_space<vmem>>
        %dma_start3A_371 = arith.constant 0 : i32
        %dma_start3A_372 = arith.constant 0 : i32
        %dma_start3A_373 = tpu.memref_slice %arg5[%dma_start3A_371, %dma_start3A_372] : memref<10240x128xf32, #tpu.memory_space<vmem_shared>> -> memref<10240x128xf32, #tpu.memory_space<vmem_shared>>
        tpu.enqueue_indirect_dma source(%arg9 : memref<128x128xf32, #tpu.memory_space<vmem>>) target(%dma_start3A_373 : memref<10240x128xf32, #tpu.memory_space<vmem_shared>>) offsets(%dma_start3A_370 : memref<128xi32, #tpu.memory_space<vmem>>) semaphore(%run_scoped3A_367 : memref<!tpu.dma_semaphore, #tpu.memory_space<semaphore_mem>>) {add = true}
        %dma_wait3A_374 = arith.constant 0 : i32
        %dma_wait3A_375 = tpu.memref_slice %arg7[%run_scoped3A_346, %dma_wait3A_374] : memref<16x128xi32, #tpu.memory_space<vmem>> -> memref<1x128xi32, #tpu.memory_space<vmem>>
        %dma_wait3A_376 = tpu.memref_squeeze %dma_wait3A_375 : memref<1x128xi32, #tpu.memory_space<vmem>> -> memref<128xi32, #tpu.memory_space<vmem>>
        %dma_wait3A_377 = arith.constant 0 : i32
        %dma_wait3A_378 = arith.constant 0 : i32
        %dma_wait3A_379 = tpu.memref_slice %arg5[%dma_wait3A_377, %dma_wait3A_378] : memref<10240x128xf32, #tpu.memory_space<vmem_shared>> -> memref<10240x128xf32, #tpu.memory_space<vmem_shared>>
        tpu.wait_indirect_dma semaphore(%run_scoped3A_367 : memref<!tpu.dma_semaphore, #tpu.memory_space<semaphore_mem>>) src(%arg9 : memref<128x128xf32, #tpu.memory_space<vmem>>) dst(%dma_wait3A_379 : memref<10240x128xf32, #tpu.memory_space<vmem_shared>>)
        tpu.yield
      }) : () -> ()
      %dma_start3A_347 = arith.constant 2 : i32
      %dma_start3A_348 = arith.constant 0 : i32
      %dma_start3A_349 = tpu.memref_slice %arg6[%dma_start3A_347, %dma_start3A_348] : memref<16x128xi32, #tpu.memory_space<vmem>> -> memref<1x128xi32, #tpu.memory_space<vmem>>
      %dma_start3A_350 = tpu.memref_squeeze %dma_start3A_349 : memref<1x128xi32, #tpu.memory_space<vmem>> -> memref<128xi32, #tpu.memory_space<vmem>>
      %dma_start3A_351 = arith.constant 0 : i32
      %dma_start3A_352 = arith.constant 0 : i32
      %dma_start3A_353 = tpu.memref_slice %arg2[%dma_start3A_351, %dma_start3A_352] : memref<10240x128xf32, #tpu.memory_space<hbm>> -> memref<10240x128xf32, #tpu.memory_space<hbm>>
      tpu.enqueue_indirect_dma source(%dma_start3A_353 : memref<10240x128xf32, #tpu.memory_space<hbm>>) target(%arg9 : memref<128x128xf32, #tpu.memory_space<vmem>>) offsets(%dma_start3A_350 : memref<128xi32, #tpu.memory_space<vmem>>) semaphore(%arg13 : memref<!tpu.dma_semaphore, #tpu.memory_space<semaphore_mem>>)
      %mul3A_354 = arith.constant 2 : i32
      %mul3A_355 = arith.muli %mul3A_354, %scan3A_85 : i32
      %add3A_356 = arith.constant 3 : i32
      %add3A_357 = arith.addi %mul3A_355, %add3A_356 : i32
      %mul3A_358 = arith.constant 16 : i32
      %mul3A_359 = arith.muli %add3A_357, %mul3A_358 : i32
      %dma_start3A_360 = arith.constant 0 : i32
      %dma_start3A_361 = tpu.memref_slice %arg3[%add3A, %mul3A_359, %dma_start3A_360] : memref<32x192x128xi32, #tpu.memory_space<hbm>> -> memref<1x16x128xi32, #tpu.memory_space<hbm>>
      %dma_start3A_362 = tpu.memref_squeeze %dma_start3A_361 : memref<1x16x128xi32, #tpu.memory_space<hbm>> -> memref<16x128xi32, #tpu.memory_space<hbm>>
      %dma_start3A_363 = arith.constant 0 : i32
      %dma_start3A_364 = tpu.memref_slice %arg3[%add3A, %mul3A_359, %dma_start3A_363] : memref<32x192x128xi32, #tpu.memory_space<hbm>> -> memref<1x16x128xi32, #tpu.memory_space<hbm>>
      %dma_start3A_365 = tpu.memref_squeeze %dma_start3A_364 : memref<1x16x128xi32, #tpu.memory_space<hbm>> -> memref<16x128xi32, #tpu.memory_space<hbm>>
      tpu.enqueue_dma source(%dma_start3A_365 : memref<16x128xi32, #tpu.memory_space<hbm>>) target(%arg7 : memref<16x128xi32, #tpu.memory_space<vmem>>) target_semaphore(%arg11 : memref<!tpu.dma_semaphore, #tpu.memory_space<semaphore_mem>>)
      %scan3A_366 = arith.constant 0 : i32
      scf.yield %scan3A_366 : i32
    }
    %scan3A_61 = arith.constant 5 : i32
    %dma_wait3A_62 = arith.constant 0 : i32
    %dma_wait3A_63 = arith.constant 0 : i32
    %dma_wait3A_64 = tpu.memref_slice %arg6[%dma_wait3A_62, %dma_wait3A_63] : memref<16x128xi32, #tpu.memory_space<vmem>> -> memref<1x128xi32, #tpu.memory_space<vmem>>
    %dma_wait3A_65 = tpu.memref_squeeze %dma_wait3A_64 : memref<1x128xi32, #tpu.memory_space<vmem>> -> memref<128xi32, #tpu.memory_space<vmem>>
    %dma_wait3A_66 = arith.constant 0 : i32
    %dma_wait3A_67 = arith.constant 0 : i32
    %dma_wait3A_68 = tpu.memref_slice %arg2[%dma_wait3A_66, %dma_wait3A_67] : memref<10240x128xf32, #tpu.memory_space<hbm>> -> memref<10240x128xf32, #tpu.memory_space<hbm>>
    tpu.wait_indirect_dma semaphore(%arg12 : memref<!tpu.dma_semaphore, #tpu.memory_space<semaphore_mem>>) src(%dma_wait3A_68 : memref<10240x128xf32, #tpu.memory_space<hbm>>) dst(%arg8 : memref<128x128xf32, #tpu.memory_space<vmem>>)
    %dma_wait3A_69 = arith.constant 0 : i32
    %dma_wait3A_70 = arith.constant 0 : i32
    %dma_wait3A_71 = tpu.memref_slice %arg6[%dma_wait3A_69, %dma_wait3A_70] : memref<16x128xi32, #tpu.memory_space<vmem>> -> memref<1x128xi32, #tpu.memory_space<vmem>>
    %dma_wait3A_72 = tpu.memref_squeeze %dma_wait3A_71 : memref<1x128xi32, #tpu.memory_space<vmem>> -> memref<128xi32, #tpu.memory_space<vmem>>
    %dma_wait3A_73 = arith.constant 0 : i32
    %dma_wait3A_74 = arith.constant 0 : i32
    %dma_wait3A_75 = tpu.memref_slice %arg2[%dma_wait3A_73, %dma_wait3A_74] : memref<10240x128xf32, #tpu.memory_space<hbm>> -> memref<10240x128xf32, #tpu.memory_space<hbm>>
    tpu.wait_indirect_dma semaphore(%arg13 : memref<!tpu.dma_semaphore, #tpu.memory_space<semaphore_mem>>) src(%dma_wait3A_75 : memref<10240x128xf32, #tpu.memory_space<hbm>>) dst(%arg9 : memref<128x128xf32, #tpu.memory_space<vmem>>)
    %dma_wait3A_76 = arith.constant 0 : i32
    %dma_wait3A_77 = arith.constant 0 : i32
    %dma_wait3A_78 = tpu.memref_slice %arg3[%add3A, %dma_wait3A_76, %dma_wait3A_77] : memref<32x192x128xi32, #tpu.memory_space<hbm>> -> memref<1x16x128xi32, #tpu.memory_space<hbm>>
    %dma_wait3A_79 = tpu.memref_squeeze %dma_wait3A_78 : memref<1x16x128xi32, #tpu.memory_space<hbm>> -> memref<16x128xi32, #tpu.memory_space<hbm>>
    %dma_wait3A_80 = arith.constant 0 : i32
    %dma_wait3A_81 = arith.constant 0 : i32
    %dma_wait3A_82 = tpu.memref_slice %arg3[%add3A, %dma_wait3A_80, %dma_wait3A_81] : memref<32x192x128xi32, #tpu.memory_space<hbm>> -> memref<1x16x128xi32, #tpu.memory_space<hbm>>
    %dma_wait3A_83 = tpu.memref_squeeze %dma_wait3A_82 : memref<1x16x128xi32, #tpu.memory_space<hbm>> -> memref<16x128xi32, #tpu.memory_space<hbm>>
    tpu.wait_dma2 semaphore(%arg11 : memref<!tpu.dma_semaphore, #tpu.memory_space<semaphore_mem>>) src(%dma_wait3A_83 : memref<16x128xi32, #tpu.memory_space<hbm>>) dst(%arg7 : memref<16x128xi32, #tpu.memory_space<vmem>>)
    %barrier3A_84 = arith.constant 0 : index
    tpu.barrier barrier_id(%barrier3A_84)
    "tpu.region"() ({
      %run_scoped3A = tpu.sem_alloc : memref<!tpu.dma_semaphore, #tpu.memory_space<semaphore_mem>>
      %dma_start3A_85 = arith.constant 0 : i32
      %dma_start3A_86 = tpu.memref_slice %arg4[%arg0, %mul3A_2, %dma_start3A_85] : memref<2x10240x128xf32, #tpu.memory_space<hbm>> -> memref<1x640x128xf32, #tpu.memory_space<hbm>>
      %dma_start3A_87 = tpu.memref_squeeze %dma_start3A_86 : memref<1x640x128xf32, #tpu.memory_space<hbm>> -> memref<640x128xf32, #tpu.memory_space<hbm>>
      %dma_start3A_88 = arith.constant 0 : i32
      %dma_start3A_89 = tpu.memref_slice %arg5[%mul3A_2, %dma_start3A_88] : memref<10240x128xf32, #tpu.memory_space<vmem_shared>> -> memref<640x128xf32, #tpu.memory_space<vmem_shared>>
      tpu.enqueue_dma source(%dma_start3A_89 : memref<640x128xf32, #tpu.memory_space<vmem_shared>>) target(%dma_start3A_87 : memref<640x128xf32, #tpu.memory_space<hbm>>) target_semaphore(%run_scoped3A : memref<!tpu.dma_semaphore, #tpu.memory_space<semaphore_mem>>)
      %dma_wait3A_90 = arith.constant 0 : i32
      %dma_wait3A_91 = tpu.memref_slice %arg4[%arg0, %mul3A_2, %dma_wait3A_90] : memref<2x10240x128xf32, #tpu.memory_space<hbm>> -> memref<1x640x128xf32, #tpu.memory_space<hbm>>
      %dma_wait3A_92 = tpu.memref_squeeze %dma_wait3A_91 : memref<1x640x128xf32, #tpu.memory_space<hbm>> -> memref<640x128xf32, #tpu.memory_space<hbm>>
      %dma_wait3A_93 = arith.constant 0 : i32
      %dma_wait3A_94 = tpu.memref_slice %arg5[%mul3A_2, %dma_wait3A_93] : memref<10240x128xf32, #tpu.memory_space<vmem_shared>> -> memref<640x128xf32, #tpu.memory_space<vmem_shared>>
      tpu.wait_dma2 semaphore(%run_scoped3A : memref<!tpu.dma_semaphore, #tpu.memory_space<semaphore_mem>>) src(%dma_wait3A_94 : memref<640x128xf32, #tpu.memory_space<vmem_shared>>) dst(%dma_wait3A_92 : memref<640x128xf32, #tpu.memory_space<hbm>>)
      tpu.yield
    }) : () -> ()
    return
  }
}

module attributes {stable_mosaic.version = 14 : i64} {
  func.func @_hprime_body(%arg0: i32, %arg1: memref<1280x128xf32, #tpu.memory_space<vmem>>, %arg2: memref<128x128xf32, #tpu.memory_space<vmem>>, %arg3: memref<2x1280xf32, #tpu.memory_space<vmem>>, %arg4: memref<1280x128xf32, #tpu.memory_space<vmem>>, %arg5: memref<1280x2xf32, #tpu.memory_space<vmem>>) attributes {dimension_semantics = [#tpu.dimension_semantics<arbitrary>], iteration_bounds = array<i64: 8>, scalar_prefetch = 0 : i64, scratch_operands = 0 : i64, tpu.core_type = #tpu.core_type<tc>, window_params = [{transform_indices = @transform_0, window_bounds = array<i64: 1280, 128>}, {pipeline_mode = #tpu.pipeline_mode<synchronous>, transform_indices = @transform_1, window_bounds = array<i64: 128, 128>}, {transform_indices = @transform_2, window_bounds = array<i64: 2, 1280>}, {transform_indices = @transform_3, window_bounds = array<i64: 1280, 128>}, {transform_indices = @transform_4, window_bounds = array<i64: 1280, 2>}]} {
    %get3A = arith.constant 0 : index
    %get3A_0 = arith.constant 0 : index
    %get3A_1 = vector.load %arg3[%get3A, %get3A_0] : memref<2x1280xf32, #tpu.memory_space<vmem>>, vector<1x1280xf32>
    %get3A_2 = vector.shape_cast %get3A_1 : vector<1x1280xf32> to vector<1280xf32>
    %get3A_3 = arith.constant 1 : index
    %get3A_4 = arith.constant 0 : index
    %get3A_5 = vector.load %arg3[%get3A_3, %get3A_4] : memref<2x1280xf32, #tpu.memory_space<vmem>>, vector<1x1280xf32>
    %get3A_6 = vector.shape_cast %get3A_5 : vector<1x1280xf32> to vector<1280xf32>
    %add3A = arith.addf %get3A_2, %get3A_6 : vector<1280xf32>
    %add3A_7 = arith.constant 1.000000e+00 : f32
    %add3A_8 = vector.broadcast %add3A_7 : f32 to vector<1280xf32>
    %add3A_9 = arith.addf %add3A, %add3A_8 : vector<1280xf32>
    %rsqrt3A = math.rsqrt %add3A_9 : vector<1280xf32>
    %get3A_10 = arith.constant 0 : index
    %get3A_11 = arith.constant 0 : index
    %get3A_12 = vector.load %arg1[%get3A_10, %get3A_11] : memref<1280x128xf32, #tpu.memory_space<vmem>>, vector<1280x128xf32>
    %get3A_13 = arith.constant 0 : index
    %get3A_14 = arith.constant 0 : index
    %get3A_15 = vector.load %arg2[%get3A_13, %get3A_14] : memref<128x128xf32, #tpu.memory_space<vmem>>, vector<128x128xf32>
    %dot_general3A = arith.constant dense<0.000000e+00> : vector<1280x128xf32>
    %dot_general3A_16 = tpu.matmul %get3A_12, %get3A_15, %dot_general3A {dimension_numbers = #tpu.dot_dimension_numbers<[1], [0], [0], [1], [0, 0, 1, 1], [], []>, transpose_lhs_hint = false} : vector<1280x128xf32>, vector<128x128xf32>, vector<1280x128xf32> -> vector<1280x128xf32>
    %broadcast_in_dim3A = vector.shape_cast %rsqrt3A : vector<1280xf32> to vector<1280x1xf32>
    %mul3A = vector.broadcast %broadcast_in_dim3A : vector<1280x1xf32> to vector<1280x128xf32>
    %mul3A_17 = arith.mulf %dot_general3A_16, %mul3A : vector<1280x128xf32>
    %swap3A = arith.constant 0 : index
    %swap3A_18 = arith.constant 0 : index
    %swap3A_19 = vector.load %arg4[%swap3A, %swap3A_18] : memref<1280x128xf32, #tpu.memory_space<vmem>>, vector<1280x128xf32>
    tpu.vector_store %arg4[%swap3A, %swap3A_18], %mul3A_17 {strides = array<i32>} : memref<1280x128xf32, #tpu.memory_space<vmem>>, vector<1280x128xf32>,
    %broadcast_in_dim3A_20 = vector.shape_cast %rsqrt3A : vector<1280xf32> to vector<1280x1xf32>
    %broadcast_in_dim3A_21 = vector.shape_cast %broadcast_in_dim3A_20 : vector<1280x1xf32> to vector<1280x1xf32>
    %broadcast_in_dim3A_22 = vector.broadcast %broadcast_in_dim3A_21 : vector<1280x1xf32> to vector<1280x2xf32>
    %swap3A_23 = arith.constant 0 : index
    %swap3A_24 = arith.constant 0 : index
    %swap3A_25 = vector.load %arg5[%swap3A_23, %swap3A_24] : memref<1280x2xf32, #tpu.memory_space<vmem>>, vector<1280x2xf32>
    tpu.vector_store %arg5[%swap3A_23, %swap3A_24], %broadcast_in_dim3A_22 {strides = array<i32>} : memref<1280x2xf32, #tpu.memory_space<vmem>>, vector<1280x2xf32>,
    return
  }
  func.func @transform_0(%arg0: i32) -> (i32, i32) {
    %c0_i32 = arith.constant 0 : i32
    %c0_i32_0 = arith.constant 0 : i32
    return %arg0, %c0_i32 : i32, i32
  }
  func.func @transform_1(%arg0: i32) -> (i32, i32) {
    %c0_i32 = arith.constant 0 : i32
    %c0_i32_0 = arith.constant 0 : i32
    %c0_i32_1 = arith.constant 0 : i32
    return %c0_i32, %c0_i32_0 : i32, i32
  }
  func.func @transform_2(%arg0: i32) -> (i32, i32) {
    %c0_i32 = arith.constant 0 : i32
    %c0_i32_0 = arith.constant 0 : i32
    return %c0_i32, %arg0 : i32, i32
  }
  func.func @transform_3(%arg0: i32) -> (i32, i32) {
    %c0_i32 = arith.constant 0 : i32
    %c0_i32_0 = arith.constant 0 : i32
    return %arg0, %c0_i32 : i32, i32
  }
  func.func @transform_4(%arg0: i32) -> (i32, i32) {
    %c0_i32 = arith.constant 0 : i32
    %c0_i32_0 = arith.constant 0 : i32
    return %arg0, %c0_i32 : i32, i32
  }
}

module attributes {stable_mosaic.version = 14 : i64} {
  func.func @_combine_body(%arg0: i32, %arg1: memref<2x2000x128xf32, #tpu.memory_space<vmem>>, %arg2: memref<2000x128xf32, #tpu.memory_space<vmem>>, %arg3: memref<2000x2xf32, #tpu.memory_space<vmem>>, %arg4: memref<1x128xf32, #tpu.memory_space<vmem>>, %arg5: memref<2000x128xf32, #tpu.memory_space<vmem>>) attributes {dimension_semantics = [#tpu.dimension_semantics<arbitrary>], iteration_bounds = array<i64: 5>, scalar_prefetch = 0 : i64, scratch_operands = 0 : i64, tpu.core_type = #tpu.core_type<tc>, window_params = [{transform_indices = @transform_0, window_bounds = array<i64: 2, 2000, 128>}, {transform_indices = @transform_1, window_bounds = array<i64: 2000, 128>}, {transform_indices = @transform_2, window_bounds = array<i64: 2000, 2>}, {pipeline_mode = #tpu.pipeline_mode<synchronous>, transform_indices = @transform_3, window_bounds = array<i64: 1, 128>}, {transform_indices = @transform_4, window_bounds = array<i64: 2000, 128>}]} {
    %get3A = arith.constant 0 : index
    %get3A_0 = arith.constant 0 : index
    %get3A_1 = vector.load %arg3[%get3A, %get3A_0] : memref<2000x2xf32, #tpu.memory_space<vmem>>, vector<2000x1xf32>
    %get3A_2 = vector.shape_cast %get3A_1 : vector<2000x1xf32> to vector<2000xf32>
    %get3A_3 = arith.constant 0 : index
    %get3A_4 = arith.constant 0 : index
    %get3A_5 = arith.constant 0 : index
    %get3A_6 = vector.load %arg1[%get3A_3, %get3A_4, %get3A_5] : memref<2x2000x128xf32, #tpu.memory_space<vmem>>, vector<1x2000x128xf32>
    %get3A_7 = vector.shape_cast %get3A_6 : vector<1x2000x128xf32> to vector<2000x128xf32>
    %get3A_8 = arith.constant 1 : index
    %get3A_9 = arith.constant 0 : index
    %get3A_10 = arith.constant 0 : index
    %get3A_11 = vector.load %arg1[%get3A_8, %get3A_9, %get3A_10] : memref<2x2000x128xf32, #tpu.memory_space<vmem>>, vector<1x2000x128xf32>
    %get3A_12 = vector.shape_cast %get3A_11 : vector<1x2000x128xf32> to vector<2000x128xf32>
    %add3A = arith.addf %get3A_7, %get3A_12 : vector<2000x128xf32>
    %get3A_13 = arith.constant 0 : index
    %get3A_14 = arith.constant 0 : index
    %get3A_15 = vector.load %arg2[%get3A_13, %get3A_14] : memref<2000x128xf32, #tpu.memory_space<vmem>>, vector<2000x128xf32>
    %add3A_16 = arith.addf %add3A, %get3A_15 : vector<2000x128xf32>
    %broadcast_in_dim3A = vector.shape_cast %get3A_2 : vector<2000xf32> to vector<2000x1xf32>
    %mul3A = vector.broadcast %broadcast_in_dim3A : vector<2000x1xf32> to vector<2000x128xf32>
    %mul3A_17 = arith.mulf %add3A_16, %mul3A : vector<2000x128xf32>
    %get3A_18 = arith.constant 0 : index
    %get3A_19 = arith.constant 0 : index
    %get3A_20 = vector.load %arg4[%get3A_18, %get3A_19] : memref<1x128xf32, #tpu.memory_space<vmem>>, vector<1x128xf32>
    %add3A_21 = vector.broadcast %get3A_20 : vector<1x128xf32> to vector<2000x128xf32>
    %add3A_22 = arith.addf %mul3A_17, %add3A_21 : vector<2000x128xf32>
    %max3A = arith.constant 0.000000e+00 : f32
    %max3A_23 = vector.broadcast %max3A : f32 to vector<2000x128xf32>
    %max3A_24 = arith.maximumf %add3A_22, %max3A_23 : vector<2000x128xf32>
    %swap3A = arith.constant 0 : index
    %swap3A_25 = arith.constant 0 : index
    %swap3A_26 = vector.load %arg5[%swap3A, %swap3A_25] : memref<2000x128xf32, #tpu.memory_space<vmem>>, vector<2000x128xf32>
    tpu.vector_store %arg5[%swap3A, %swap3A_25], %max3A_24 {strides = array<i32>} : memref<2000x128xf32, #tpu.memory_space<vmem>>, vector<2000x128xf32>,
    return
  }
  func.func @transform_0(%arg0: i32) -> (i32, i32, i32) {
    %c0_i32 = arith.constant 0 : i32
    %c0_i32_0 = arith.constant 0 : i32
    %c0_i32_1 = arith.constant 0 : i32
    return %c0_i32, %arg0, %c0_i32_0 : i32, i32, i32
  }
  func.func @transform_1(%arg0: i32) -> (i32, i32) {
    %c0_i32 = arith.constant 0 : i32
    %c0_i32_0 = arith.constant 0 : i32
    return %arg0, %c0_i32 : i32, i32
  }
  func.func @transform_2(%arg0: i32) -> (i32, i32) {
    %c0_i32 = arith.constant 0 : i32
    %c0_i32_0 = arith.constant 0 : i32
    return %arg0, %c0_i32 : i32, i32
  }
  func.func @transform_3(%arg0: i32) -> (i32, i32) {
    %c0_i32 = arith.constant 0 : i32
    %c0_i32_0 = arith.constant 0 : i32
    %c0_i32_1 = arith.constant 0 : i32
    return %c0_i32, %c0_i32_0 : i32, i32
  }
  func.func @transform_4(%arg0: i32) -> (i32, i32) {
    %c0_i32 = arith.constant 0 : i32
    %c0_i32_0 = arith.constant 0 : i32
    return %arg0, %c0_i32 : i32, i32
  }
}

</mosaic_0001>

<sc_bundles>
// kernel: kernel.6.cloned.1.call-start
scs
__scs_entry_jumppad:
0x0: {  	(pc) =	sbr.rel $0x88, $3  }
0x1: {  	(tag) =	ssettag $0x0;
	lr =	simm.s32 $0x1  }
0x2: {  	[smem:$0x3F9D] =	sst lr;
	_ =	strace $0xD0000000  }
0x3: {  	_ = 	snop  }
0x4: {  	_ = 	snop  }
0x5: {  	_ = 	snop  }
0x6: {  	_ = 	snop  }
0x7: {  	_ = 	snop  }
__scs_overlays_trampoline_lowered:
0x8: {  	[smem:$0x3FAC] =	sst s0  }
0x9: {  	[smem:$0x3FAD] =	sst s1  }
0xa: {  	[smem:$0x3FAE] =	sst s2  }
0xb: {  	[smem:$0x3FAF] =	sst s3  }
0xc: {  	[smem:$0x3FB0] =	sst s4  }
0xd: {  	[smem:$0x3FB1] =	sst s5  }
0xe: {  	[smem:$0x3FB2] =	sst s6  }
0xf: {  	[smem:$0x3FB3] =	sst s7  }
0x10: {  	[smem:$0x3FB4] =	sst s8  }
0x11: {  	[smem:$0x3FB5] =	sst s9;
	s0 =	simm.s32 @!p0 $0x0  }
0x12: {  	s1 =	sld [smem:$0x3F9B];
	s0 =	simm.s32 @p0 $0x1  }
0x13: {  	[smem:$0x3FB6] =	sst s0;
	s0 =	simm.s32 @!p1 $0x0  }
0x14: {  	s2 =	sld [smem:$0x3F9A];
	s0 =	simm.s32 @p1 $0x1  }
0x15: {  	[smem:$0x3FB7] =	sst s0;
	s0 =	simm.s32 @!p2 $0x0  }
0x16: {  	s3 =	sld [smem:$0x3FDB];
	s0 =	simm.s32 @p2 $0x1  }
0x17: {  	s4 =	simm.s32 $0x1BF5;
	[smem:$0x3FB9] =	sst s0  }
0x18: {  	s0 =	sld [smem:$0x3F9C];
	_ =	swait.ge [sflag:s4], $0x0  }
0x19: {  	s7 =	sld [smem:$0x3F9D]  }
0x1a: {  	s8 =	sadd.s32 $0xFFFFE003, lr  }
0x1b: {  	s9 =	sadd.s32 $0xFFFFFEF7, lr;
	s5 =	simm.s32 $0xFFFFFFFF;
	p2 =	slt.u32 s8, $0xFFFFF086  }
0x1c: {  	p1 =	slt.u32 s9, $0xF7A;
	s5 =	simm.s32 @!p2 $0x0  }
0x1d: {  	s5 =	simm.s32 @p1 $0x1;
	p0 =	seq.s32 s7, s2  }
0x1e: {  	s7 =	smul.u32 @!p0 $0xF7A, s2;
	p2 =	seq.s32 @!p0 s5, $0x0  }
0x1f: {  	s9 =	smul.u32 $0xF7A, s1;
	s8 =	simm.s32 @!p0 $0x1BF5;
	p2 =	por !p2, p0  }
0x20: {  	[sflag:s8] =	ssyncset.s32 @!p0 $0xFFFFF086;
	s6 =	sadd.s32 @!p0 s3, s7;
	s7 =	simm.s32 @!p0 $0x108  }
0x21: {  	s3 =	sadd.s32 s3, s9;
	s6 =	sadd.s32 @!p0 $0x88, s6;
	s7 =	simm.s32 @p2 $0x1082  }
0x22: {  	[simem:s7], [sflag:s8] =	dma.local @!p0 [hbm:s6], $0xF7A  }
0x23: {  	s9 =	sor.u32 $0xD0000000, s2;
	s6 =	simm.s32 $0x108;
	_ =	swait.ge @!p0 [sflag:s8], $0x0  }
0x24: {  	s3 =	sadd.s32 $0x88, s3;
	s6 =	simm.s32 @!p1 $0x1082;
	[sflag:s4] =	ssyncset.s32 $0xFFFFF086  }
0x25: {  	[simem:s6], [sflag:s4] =	dma.local [hbm:s3], $0xF7A  }
0x26: {  	[smem:$0x3F9D] =	sst s1;
	(tag) =	ssettag s2;
	_ =	strace s9  }
0x27: {  	s1 =	sld [smem:$0x3FAD]  }
0x28: {  	s2 =	sld [smem:$0x3FAE]  }
0x29: {  	s4 =	sld [smem:$0x3FB0]  }
0x2a: {  	p0 =	seq.s32 s5, $0x0;
	s5 =	sld [smem:$0x3FB1]  }
0x2b: {  	s6 =	sld [smem:$0x3FB2]  }
0x2c: {  	s7 =	sld [smem:$0x3FB3]  }
0x2d: {  	s3 =	simm.s32 $0x108;
	s8 =	sld [smem:$0x3FB4]  }
0x2e: {  	s3 =	simm.s32 @!p0 $0x1082;
	s9 =	sld [smem:$0x3FB5]  }
0x2f: {  	lr =	sadd.s32 s0, s3;
	s0 =	sld [smem:$0x3FAC]  }
0x30: {  	s3 =	sld [smem:$0x3FAF]  }
0x31: {  	[smem:$0x3FB8] =	sst s10  }
0x32: {  	s10 =	sld [smem:$0x3FB6];
	_ =	sdelay $0x3  }
0x33: {  	p0 =	seq.s32 s10, $0x1;
	s10 =	sld [smem:$0x3FB8];
	_ =	sdelay $0x3  }
0x34: {  	[smem:$0x3FB8] =	sst s10  }
0x35: {  	s10 =	sld [smem:$0x3FB7];
	_ =	sdelay $0x3  }
0x36: {  	p1 =	seq.s32 s10, $0x1;
	s10 =	sld [smem:$0x3FB8];
	_ =	sdelay $0x3  }
0x37: {  	[smem:$0x3FB8] =	sst s10  }
0x38: {  	s10 =	sld [smem:$0x3FB9]  }
0x39: {  	_ = 	snop;
	(pc) =	sbr.ind lr, $3  }
0x3a: {  	_ = 	snop  }
0x3b: {  	_ = 	snop  }
0x3c: {  	p2 =	seq.s32 s10, $0x1;
	s10 =	sld [smem:$0x3FB8]  }
0x3d: {  	_ =	shalt  }
0x3e: {  	_ =	shalt  }
0x3f: {  	_ =	shalt  }
0x40: {  	_ =	shalt  }
0x41: {  	_ =	shalt  }
0x42: {  	_ =	shalt  }
0x43: {  	_ =	shalt  }
0x44: {  	_ =	shalt  }
0x45: {  	_ =	shalt  }
0x46: {  	_ =	shalt  }
0x47: {  	_ =	shalt  }
0x48: {  	_ =	shalt  }
0x49: {  	_ =	shalt  }
0x4a: {  	_ =	shalt  }
0x4b: {  	_ =	shalt  }
0x4c: {  	_ =	shalt  }
0x4d: {  	_ =	shalt  }
0x4e: {  	_ =	shalt  }
0x4f: {  	_ =	shalt  }
0x50: {  	_ =	shalt  }
0x51: {  	_ =	shalt  }
0x52: {  	_ =	shalt  }
0x53: {  	_ =	shalt  }
0x54: {  	_ =	shalt  }
0x55: {  	_ =	shalt  }
0x56: {  	_ =	shalt  }
0x57: {  	_ =	shalt  }
0x58: {  	_ =	shalt  }
0x59: {  	_ =	shalt  }
0x5a: {  	_ =	shalt  }
0x5b: {  	_ =	shalt  }
0x5c: {  	_ =	shalt  }
0x5d: {  	_ =	shalt  }
0x5e: {  	_ =	shalt  }
0x5f: {  	_ =	shalt  }
0x60: {  	_ =	shalt  }
0x61: {  	_ =	shalt  }
0x62: {  	_ =	shalt  }
0x63: {  	_ =	shalt  }
0x64: {  	_ =	shalt  }
0x65: {  	_ =	shalt  }
0x66: {  	_ =	shalt  }
0x67: {  	_ =	shalt  }
0x68: {  	_ =	shalt  }
0x69: {  	_ =	shalt  }
0x6a: {  	_ =	shalt  }
0x6b: {  	_ =	shalt  }
0x6c: {  	_ =	shalt  }
0x6d: {  	_ =	shalt  }
0x6e: {  	_ =	shalt  }
0x6f: {  	_ =	shalt  }
0x70: {  	_ =	shalt  }
0x71: {  	_ =	shalt  }
0x72: {  	_ =	shalt  }
0x73: {  	_ =	shalt  }
0x74: {  	_ =	shalt  }
0x75: {  	_ =	shalt  }
0x76: {  	_ =	shalt  }
0x77: {  	_ =	shalt  }
0x78: {  	_ =	shalt  }
0x79: {  	_ =	shalt  }
0x7a: {  	_ =	shalt  }
0x7b: {  	_ =	shalt  }
0x7c: {  	_ =	shalt  }
0x7d: {  	_ =	shalt  }
0x7e: {  	_ =	shalt  }
0x7f: {  	_ =	shalt  }
0x80: {  	_ =	shalt  }
0x81: {  	_ =	shalt  }
0x82: {  	_ =	shalt  }
0x83: {  	_ =	shalt  }
0x84: {  	_ =	shalt  }
0x85: {  	_ =	shalt  }
0x86: {  	_ =	shalt  }
0x87: {  	_ =	shalt  }
.Lfunc_end0:
.L_simem_size_0:
called_computation_lowered:
.L_overlay_start_0:
0x88: {  	s2 =	sld [smem:$0x3FD9]  }
0x89: {  	s3 =	sld [smem:$0x3FFE];
	_ =	sdelay $0x1  }
0x8a: {  	s1 =	srdreg.scid  }
0x8b: {  	s0 =	sand.u32 $0x1, s1  }
0x8c: {  	s17 =	sshll.u32 s0, $0xA;
	s2 =	sadd.s32 s3, s2  }
0x8d: {  	s2 =	sadd.s32 s2, s17  }
0x8e: {  	[smem:$0x3FC4] =	sst s2  }
0x8f: {  	_ = 	snop  }
0x90: {  	s2 =	sld [smem:$0x3FD0];
	(tm) =	ssettm $0x1  }
0x91: {  	s18 =	sld [smem:$0x3FFB];
	_ =	sdelay $0x3  }
0x92: {  	_ =	strace s18  }
0x93: {  	s3 =	sld [smem:$0x3FFC];
	_ =	sdelay $0x3  }
0x94: {  	_ =	strace s3  }
0x95: {  	s3 =	sld [smem:$0x3FFD];
	_ =	sdelay $0x3  }
0x96: {  	_ =	strace s3  }
0x97: {  	_ =	strace $0x8FFFFFFF  }
0x98: {  	s19 =	sld [smem:$0x3FDB];
	_ =	sdelay $0x1  }
0x99: {  	s4 =	simm.s32 $_scs_section_size  }
0x9a: {  	s5 =	simm.s32 $_size__tile_overlayer_lowered;
	s6 =	simm.s32 $_tile_overlayer_lowered  }
0x9b: {  	s22 =	simm.s32 $0x1BFF;
	s21 =	sshll.u32 s6, $0x1;
	s3 =	sadd.s32 s4, s19  }
0x9c: {  	s7 =	simm.s32 $0x0;
	s20 =	sshll.u32 s5, $0x1;
	s5 =	sadd.s32 s21, s3  }
0x9d: {  	[timem:s7], [sflag:s22] =	dma.local [hbm:s5], s20  }
0x9e: {  	_ =	swait.ge [sflag:s22], s20  }
0x9f: {  	s4 =	ssub.s32 $0x0, s20;
	[sflag:s22] =	ssyncset.done $0x0  }
0xa0: {  	[sflag:s22] =	ssyncadd.s32 s4;
	_ =	sdelay $0x1  }
0xa1: {  	s23 =	simm.s32 $0x1B8B  }
0xa2: {  	_ =	swait.ge [sflag:s23], $0x1  }
0xa3: {  	[sflag:s23] =	ssyncset.done $0x0  }
0xa4: {  	s25 =	simm.s32 $0x1B8E;
	s24 =	sld [smem:$0x3FFE];
	[sflag:s23] =	ssyncadd.s32 $0xFFFFFFFF  }
0xa5: {  	s26 =	simm.s32 $execute0_lowered;
	[smem:$0x3FD2] =	sst s25  }
0xa6: {  	s5 =	sshll.u32 s26, $0x1;
	_ =	strace $0x80000046;
	[dreg:$0x1] =	wrdreg $0xFFFFFFFF  }
0xa7: {  	s28 =	simm.s32 $_size_execute0_lowered;
	s3 =	sadd.s32 s3, s5;
	[dreg:$0x0] =	wrdreg $0x0  }
0xa8: {  	s5 =	sshll.u32 s28, $0x1;
	[dreg:$0x2] =	wrdreg s3  }
0xa9: {  	[dreg:$0x3] =	wrdreg s5  }
0xaa: {  	[dreg:$0x4] =	wrdreg $0xC0  }
0xab: {  	_ =	task [dreg:s7], $0x5FFFF  }
0xac: {  	[dreg:$0x1] =	wrdreg $0xFFFFFFFF  }
0xad: {  	[dreg:$0x0] =	wrdreg $0x60  }
0xae: {  	[dreg:$0x2] =	wrdreg s2  }
0xaf: {  	[dreg:$0x3] =	wrdreg s24  }
0xb0: {  	[dreg:$0x4] =	wrdreg $0x0  }
0xb1: {  	[dreg:$0x5] =	wrdreg $0x9  }
0xb2: {  	_ =	task.clear_ibuf [dreg:s7], $0x6FFFF;
	_ =	strace $0x90000046  }
0xb3: {  	s29 =	simm.s32 $0x9;
	_ =	strace $0x80000048  }
0xb4: {  	_ =	swait.ge [sflag:s29], $0x1  }
0xb5: {  	[sflag:s29] =	ssyncadd.s32 $0xFFFFFFFF  }
0xb6: {  	_ =	strace $0x90000048  }
0xb7: {  	_ =	sfence  }
0xb8: {  	s30 =	sld [smem:$0x0];
	_ =	sdelay $0x2  }
0xb9: {  	s31 =	sshll.u32 s1, $0xD;
	s1 =	sshrl.u32 s1, $0x2  }
0xba: {  	s3 =	sand.u32 $0x4000, s31;
	s1 =	sadd.s32 s1, s30  }
0xbb: {  	s0 =	sor.u32 s3, s0;
	s1 =	sshll.u32 s1, $0x11  }
0xbc: {  	s0 =	sor.u32 s1, s0  }
0xbd: {  	s0 =	sadd.s32 $0x8F2B, s0  }
0xbe: {  	[sflag:s0] =	ssyncadd.remote.s32 $0x1  }
0xbf: {  	_ =	sfence.sel $0xFFFF  }
0xc0: {  	[dreg:$0x0] =	wrdreg $0xFFFFFFFF;
	(pc) =	sbr.abs _section_cstart, $3  }
0xc1: {  	[dreg:$0x1] =	wrdreg $0xFFFFFFFF  }
0xc2: {  	_ =	task.clear_ibuf [dreg:s7], $0x2FFFF;
	_ =	strace $0x9FFFFFFF  }
0xc3: {  	(tm) =	ssettm $0x7FFFFFFF  }
tec
execute0_lowered:
.L_overlay_start_1:
0x0: {  	(tag) =	ssettag $0x1  }
0x1: {  	s5 =	rddreg [dreg:$0x0]  }
0x2: {  	s4 =	rddreg [dreg:$0x1]  }
0x3: {  	s2 =	rddreg [dreg:$0x2]  }
0x4: {  	s0 =	rddreg [dreg:$0x3];
	s6 =	srdreg.scid  }
0x5: {  	s1 =	stileid.u32;
	s3 =	simm.s32 $0x0;
	s11 =	simm.s32 $0x1  }
0x6: {  	s12 =	simm.s32 $0x80;
	s13 =	simm.s32 $0x5280;
	s14 =	simm.s32 $0x100  }
0x7: {  	s15 =	simm.s32 $0x0;
	s6 =	sand.u32 $0x1, s6;
	s7 =	smul.u32 $0x500, s1  }
0x8: {  	[smem:$0x7FF] =	sst s3;
	s9 =	smul.u32 $0xA00, s1;
	s8 =	sshll.u32 s6, $0x7  }
0x9: {  	_ =	strace $0x80000047;
	s30 =	sshll.u32 s6, $0x4;
	s6 =	ssub.s32 $0x2, s6  }
0xa: {  	s7 =	sor.u32 s8, s7;
	s8 =	sor.u32 s1, s30;
	s10 =	sshrl.u32 s6, $0x1  }
0xb: {  	s31 =	sshrl.u32 s9, $0x2;
	s7 =	sshrl.u32 s7, $0x3;
	s8 =	smul.u32 $0xC00, s8  }
0xc: {  	s9 =	simm.s32 $0x2;
	s10 =	ssub.s32 s6, s10;
	s7 =	sadd.s32 s7, s4  }
0xd: {  	s4 =	sadd.s32 s31, s2;
	s5 =	sadd.s32 s5, s8;
	s6 =	sadd.s32 $0x2400, s7  }
0xe: {  	v0 =	vimm.f32 $1.000000000e+00;
	v1 =	vimm.f32 $0.0e+00;
	s7 =	smax.u32 s10, $0x1;
	s8 =	simm.s32 $0x5300;
	s10 =	simm.s32 $0x280  }
.LBB2_1:
0xf: {  	[tilespmem:$0x5280] =	vst v0  }
0x10: {  	[tilespmem:$0x5290] =	vst v0  }
0x11: {  	[tilespmem:$0x52A0] =	vst v0  }
0x12: {  	[tilespmem:$0x52B0] =	vst v0  }
0x13: {  	[tilespmem:$0x52C0] =	vst v0  }
0x14: {  	[tilespmem:$0x52D0] =	vst v0  }
0x15: {  	[tilespmem:$0x52E0] =	vst v0  }
0x16: {  	[tilespmem:$0x52F0] =	vst v0  }
0x17: {  	[tilespmem:$0x5300] =	vst v1  }
0x18: {  	[tilespmem:$0x5310] =	vst v1  }
0x19: {  	[tilespmem:$0x5320] =	vst v1  }
0x1a: {  	[tilespmem:$0x5330] =	vst v1  }
0x1b: {  	[tilespmem:$0x5340] =	vst v1  }
0x1c: {  	[tilespmem:$0x5350] =	vst v1  }
0x1d: {  	[tilespmem:$0x5360] =	vst v1  }
0x1e: {  	[tilespmem:$0x5370] =	vst v1  }
0x1f: {  	[tilespmem:$0x5380] =	vst v1  }
0x20: {  	[tilespmem:$0x5390] =	vst v1  }
0x21: {  	[tilespmem:$0x53A0] =	vst v1  }
0x22: {  	[tilespmem:$0x53B0] =	vst v1  }
0x23: {  	[tilespmem:$0x53C0] =	vst v1  }
0x24: {  	[tilespmem:$0x53D0] =	vst v1  }
0x25: {  	[tilespmem:$0x53E0] =	vst v1  }
0x26: {  	[tilespmem:$0x53F0] =	vst v1  }
0x27: {  	[tilespmem:$0x5400] =	vst v1  }
0x28: {  	[tilespmem:$0x5410] =	vst v1  }
0x29: {  	[tilespmem:$0x5420] =	vst v1  }
0x2a: {  	[tilespmem:$0x5430] =	vst v1  }
0x2b: {  	[tilespmem:$0x5440] =	vst v1  }
0x2c: {  	[tilespmem:$0x5450] =	vst v1  }
0x2d: {  	[tilespmem:$0x5460] =	vst v1  }
0x2e: {  	[tilespmem:$0x5470] =	vst v1  }
0x2f: {  	[tilespmem:$0x5480] =	vst v1  }
0x30: {  	[tilespmem:$0x5490] =	vst v1  }
0x31: {  	[tilespmem:$0x54A0] =	vst v1  }
0x32: {  	[tilespmem:$0x54B0] =	vst v1  }
0x33: {  	[tilespmem:$0x54C0] =	vst v1  }
0x34: {  	[tilespmem:$0x54D0] =	vst v1  }
0x35: {  	[tilespmem:$0x54E0] =	vst v1  }
0x36: {  	[tilespmem:$0x54F0] =	vst v1  }
0x37: {  	[tilespmem:$0x5500] =	vst v1  }
0x38: {  	[tilespmem:$0x5510] =	vst v1  }
0x39: {  	[tilespmem:$0x5520] =	vst v1  }
0x3a: {  	[tilespmem:$0x5530] =	vst v1  }
0x3b: {  	[tilespmem:$0x5540] =	vst v1  }
0x3c: {  	[tilespmem:$0x5550] =	vst v1  }
0x3d: {  	[tilespmem:$0x5560] =	vst v1  }
0x3e: {  	[tilespmem:$0x5570] =	vst v1  }
0x3f: {  	[spmem:s4] =	stream.linear.scatter [tilespmem:s8], [sflag:$0x2], $0x280, $0x38;
	[tilespmem:$0x5580] =	vst v63  }
0x40: {  	_ =	swait.ge [sflag:s9], $0x280  }
0x41: {  	[sflag:s9] =	ssyncset.done $0x0  }
0x42: {  	[sflag:s9] =	ssyncadd.s32 $0xFFFFFD80  }
0x43: {  	[tilespmem:s10], [sflag:$0x1] =	stream.linear.gather [hbm4b:s5+s3], $0x5000, $0x38;
	[tilespmem:$0x5580] =	vst v63  }
0x44: {  	_ =	swait.ge [sflag:s11], $0x5000  }
0x45: {  	[sflag:s11] =	ssyncset.done $0x0  }
0x46: {  	[sflag:s11] =	ssyncadd.s32 $0xFFFFB000  }
0x47: {  	s16 =	simm.s32 $0x300;
	[bflag:$0x0] =	sbarrier.arrive $0xFFFF  }
0x48: {  	[spmem:s2] =	stream.indirect.scatter.add.f32 [tilespmem:s13], [sflag:$0x2], $0x1, s16, s12, $0xb8;
	[tilespmem:$0x5580] =	vst v63  }
0x49: {  	s16 =	simm.s32 $0x600;
	_ =	swait.ge [sflag:s9], $0x80  }
.LBB2_2:
0x4a: {  	s17 =	sshra.s32 s16, $0x2;
	[sflag:s9] =	ssyncset.done $0x0;
	p0 =	sne.s32 s16, $0x13E00  }
.Ltmp0:
0x4b: {  	s17 =	sadd.s32 $0x280, s17;
	[sflag:s9] =	ssyncadd.s32 $0xFFFFFF80;
	(pc) =	sbr.rel @p0 .LBB2_2-.Ltmp0, $3  }
0x4c: {  	[spmem:s2] =	stream.indirect.scatter.add.f32 [tilespmem:s13], [sflag:$0x2], $0x1, s17, s12, $0xb8;
	[tilespmem:$0x5580] =	vst v63  }
0x4d: {  	s16 =	sadd.s32 $0x400, s16;
	_ =	sdelay $0x1  }
0x4e: {  	_ =	swait.ge [sflag:s9], $0x80  }
0x4f: {  	[sflag:s9] =	ssyncset.done $0x0  }
0x50: {  	[sflag:s9] =	ssyncadd.s32 $0xFFFFFF80  }
0x51: {  	[bflag:$0x0] =	sbarrier.arrive $0xFFFF  }
0x52: {  	[tilespmem:s8], [sflag:$0x2] =	stream.linear.gather [spmem:s4], $0x280, $0x38;
	[tilespmem:$0x5580] =	vst v63  }
0x53: {  	s15 =	sadd.s32 $0x1, s15;
	_ =	swait.ge [sflag:s9], $0x280  }
0x54: {  	p0 =	sne.s32 s15, s7;
	[sflag:s9] =	ssyncset.done $0x0  }
.Ltmp1:
0x55: {  	[sflag:s9] =	ssyncadd.s32 $0xFFFFFD80;
	(pc) =	sbr.rel @p0 .LBB2_1-.Ltmp1, $4  }
0x56: {  	[hbm4b:s6+s12] =	stream.strided.scatter [tilespmem:s8], [sflag:$0x2], $0x280, s14, s12, $0x38;
	[tilespmem:$0x5580] =	vst v63  }
0x57: {  	_ =	swait.ge [sflag:s9], $0x280  }
0x58: {  	[sflag:s9] =	ssyncset.done $0x0  }
0x59: {  	[sflag:s9] =	ssyncadd.s32 $0xFFFFFD80  }
0x5a: {  	_ =	sfence.sel $0x180000  }
0x5b: {  	[bflag:$0x0] =	sbarrier.arrive $0xFFFF  }
0x5c: {  	p0 =	sne.s32 s1, $0x0;
	_ =	strace $0x90000047  }
0x5d: {  	s0 =	sadd.s32 @!p0 $0x100000, s0;
	[bflag:$0x2] =	sbarrier.arrive $0xFFFF  }
0x5e: {  	[sflag:s0] =	ssyncadd.tile.s32 @!p0 $0x1;
	_ =	shalt  }
.Lfunc_end2:
_tile_overlayer_lowered:
.L_overlay_start_2:
0x5f: {  	(tag) =	ssettag $0x2  }
0x60: {  	s0 =	rddreg [dreg:$0x0];
	s2 =	stileid.u32  }
0x61: {  	s1 =	rddreg [dreg:$0x1];
	p0 =	sne.s32 s2, $0x0  }
0x62: {  	s3 =	rddreg [dreg:$0x2];
	[bflag:$0x3] =	sbarrier.arrive $0xFFFF;
	s2 =	simm.s32 @!p0 $0x1C02  }
0x63: {  	[timem:s3], [sflag:s2] =	dma.local @!p0 [hbm:s0], s1  }
0x64: {  	s0 =	simm.s32 @!p0 $0x2  }
0x65: {  	_ =	swait.ge @!p0 [sflag:s0], s1  }
0x66: {  	s1 =	ssub.s32 @!p0 $0x0, s1;
	[sflag:s0] =	ssyncset.done @!p0 $0x0  }
0x67: {  	[sflag:s0] =	ssyncadd.s32 @!p0 s1  }
0x68: {  	[bflag:$0x3] =	sbarrier.arrive $0xFFFF  }
0x69: {  	_ =	shalt  }

// kernel: kernel.9.cloned.1.call-start
scs
__scs_entry_jumppad:
0x0: {  	(pc) =	sbr.rel $0x88, $3  }
0x1: {  	(tag) =	ssettag $0x0;
	lr =	simm.s32 $0x1  }
0x2: {  	[smem:$0x3F9D] =	sst lr;
	_ =	strace $0xD0000000  }
0x3: {  	_ = 	snop  }
0x4: {  	_ = 	snop  }
0x5: {  	_ = 	snop  }
0x6: {  	_ = 	snop  }
0x7: {  	_ = 	snop  }
__scs_overlays_trampoline_lowered:
0x8: {  	[smem:$0x3FAC] =	sst s0  }
0x9: {  	[smem:$0x3FAD] =	sst s1  }
0xa: {  	[smem:$0x3FAE] =	sst s2  }
0xb: {  	[smem:$0x3FAF] =	sst s3  }
0xc: {  	[smem:$0x3FB0] =	sst s4  }
0xd: {  	[smem:$0x3FB1] =	sst s5  }
0xe: {  	[smem:$0x3FB2] =	sst s6  }
0xf: {  	[smem:$0x3FB3] =	sst s7  }
0x10: {  	[smem:$0x3FB4] =	sst s8  }
0x11: {  	[smem:$0x3FB5] =	sst s9;
	s0 =	simm.s32 @!p0 $0x0  }
0x12: {  	s1 =	sld [smem:$0x3F9B];
	s0 =	simm.s32 @p0 $0x1  }
0x13: {  	[smem:$0x3FB6] =	sst s0;
	s0 =	simm.s32 @!p1 $0x0  }
0x14: {  	s2 =	sld [smem:$0x3F9A];
	s0 =	simm.s32 @p1 $0x1  }
0x15: {  	[smem:$0x3FB7] =	sst s0;
	s0 =	simm.s32 @!p2 $0x0  }
0x16: {  	s3 =	sld [smem:$0x3FDB];
	s0 =	simm.s32 @p2 $0x1  }
0x17: {  	s4 =	simm.s32 $0x1BF5;
	[smem:$0x3FB9] =	sst s0  }
0x18: {  	s0 =	sld [smem:$0x3F9C];
	_ =	swait.ge [sflag:s4], $0x0  }
0x19: {  	s7 =	sld [smem:$0x3F9D]  }
0x1a: {  	s8 =	sadd.s32 $0xFFFFE003, lr  }
0x1b: {  	s9 =	sadd.s32 $0xFFFFFEF7, lr;
	s5 =	simm.s32 $0xFFFFFFFF;
	p2 =	slt.u32 s8, $0xFFFFF086  }
0x1c: {  	p1 =	slt.u32 s9, $0xF7A;
	s5 =	simm.s32 @!p2 $0x0  }
0x1d: {  	s5 =	simm.s32 @p1 $0x1;
	p0 =	seq.s32 s7, s2  }
0x1e: {  	s7 =	smul.u32 @!p0 $0xF7A, s2;
	p2 =	seq.s32 @!p0 s5, $0x0  }
0x1f: {  	s9 =	smul.u32 $0xF7A, s1;
	s8 =	simm.s32 @!p0 $0x1BF5;
	p2 =	por !p2, p0  }
0x20: {  	[sflag:s8] =	ssyncset.s32 @!p0 $0xFFFFF086;
	s6 =	sadd.s32 @!p0 s3, s7;
	s7 =	simm.s32 @!p0 $0x108  }
0x21: {  	s3 =	sadd.s32 s3, s9;
	s6 =	sadd.s32 @!p0 $0x88, s6;
	s7 =	simm.s32 @p2 $0x1082  }
0x22: {  	[simem:s7], [sflag:s8] =	dma.local @!p0 [hbm:s6], $0xF7A  }
0x23: {  	s9 =	sor.u32 $0xD0000000, s2;
	s6 =	simm.s32 $0x108;
	_ =	swait.ge @!p0 [sflag:s8], $0x0  }
0x24: {  	s3 =	sadd.s32 $0x88, s3;
	s6 =	simm.s32 @!p1 $0x1082;
	[sflag:s4] =	ssyncset.s32 $0xFFFFF086  }
0x25: {  	[simem:s6], [sflag:s4] =	dma.local [hbm:s3], $0xF7A  }
0x26: {  	[smem:$0x3F9D] =	sst s1;
	(tag) =	ssettag s2;
	_ =	strace s9  }
0x27: {  	s1 =	sld [smem:$0x3FAD]  }
0x28: {  	s2 =	sld [smem:$0x3FAE]  }
0x29: {  	s4 =	sld [smem:$0x3FB0]  }
0x2a: {  	p0 =	seq.s32 s5, $0x0;
	s5 =	sld [smem:$0x3FB1]  }
0x2b: {  	s6 =	sld [smem:$0x3FB2]  }
0x2c: {  	s7 =	sld [smem:$0x3FB3]  }
0x2d: {  	s3 =	simm.s32 $0x108;
	s8 =	sld [smem:$0x3FB4]  }
0x2e: {  	s3 =	simm.s32 @!p0 $0x1082;
	s9 =	sld [smem:$0x3FB5]  }
0x2f: {  	lr =	sadd.s32 s0, s3;
	s0 =	sld [smem:$0x3FAC]  }
0x30: {  	s3 =	sld [smem:$0x3FAF]  }
0x31: {  	[smem:$0x3FB8] =	sst s10  }
0x32: {  	s10 =	sld [smem:$0x3FB6];
	_ =	sdelay $0x3  }
0x33: {  	p0 =	seq.s32 s10, $0x1;
	s10 =	sld [smem:$0x3FB8];
	_ =	sdelay $0x3  }
0x34: {  	[smem:$0x3FB8] =	sst s10  }
0x35: {  	s10 =	sld [smem:$0x3FB7];
	_ =	sdelay $0x3  }
0x36: {  	p1 =	seq.s32 s10, $0x1;
	s10 =	sld [smem:$0x3FB8];
	_ =	sdelay $0x3  }
0x37: {  	[smem:$0x3FB8] =	sst s10  }
0x38: {  	s10 =	sld [smem:$0x3FB9]  }
0x39: {  	_ = 	snop;
	(pc) =	sbr.ind lr, $3  }
0x3a: {  	_ = 	snop  }
0x3b: {  	_ = 	snop  }
0x3c: {  	p2 =	seq.s32 s10, $0x1;
	s10 =	sld [smem:$0x3FB8]  }
0x3d: {  	_ =	shalt  }
0x3e: {  	_ =	shalt  }
0x3f: {  	_ =	shalt  }
0x40: {  	_ =	shalt  }
0x41: {  	_ =	shalt  }
0x42: {  	_ =	shalt  }
0x43: {  	_ =	shalt  }
0x44: {  	_ =	shalt  }
0x45: {  	_ =	shalt  }
0x46: {  	_ =	shalt  }
0x47: {  	_ =	shalt  }
0x48: {  	_ =	shalt  }
0x49: {  	_ =	shalt  }
0x4a: {  	_ =	shalt  }
0x4b: {  	_ =	shalt  }
0x4c: {  	_ =	shalt  }
0x4d: {  	_ =	shalt  }
0x4e: {  	_ =	shalt  }
0x4f: {  	_ =	shalt  }
0x50: {  	_ =	shalt  }
0x51: {  	_ =	shalt  }
0x52: {  	_ =	shalt  }
0x53: {  	_ =	shalt  }
0x54: {  	_ =	shalt  }
0x55: {  	_ =	shalt  }
0x56: {  	_ =	shalt  }
0x57: {  	_ =	shalt  }
0x58: {  	_ =	shalt  }
0x59: {  	_ =	shalt  }
0x5a: {  	_ =	shalt  }
0x5b: {  	_ =	shalt  }
0x5c: {  	_ =	shalt  }
0x5d: {  	_ =	shalt  }
0x5e: {  	_ =	shalt  }
0x5f: {  	_ =	shalt  }
0x60: {  	_ =	shalt  }
0x61: {  	_ =	shalt  }
0x62: {  	_ =	shalt  }
0x63: {  	_ =	shalt  }
0x64: {  	_ =	shalt  }
0x65: {  	_ =	shalt  }
0x66: {  	_ =	shalt  }
0x67: {  	_ =	shalt  }
0x68: {  	_ =	shalt  }
0x69: {  	_ =	shalt  }
0x6a: {  	_ =	shalt  }
0x6b: {  	_ =	shalt  }
0x6c: {  	_ =	shalt  }
0x6d: {  	_ =	shalt  }
0x6e: {  	_ =	shalt  }
0x6f: {  	_ =	shalt  }
0x70: {  	_ =	shalt  }
0x71: {  	_ =	shalt  }
0x72: {  	_ =	shalt  }
0x73: {  	_ =	shalt  }
0x74: {  	_ =	shalt  }
0x75: {  	_ =	shalt  }
0x76: {  	_ =	shalt  }
0x77: {  	_ =	shalt  }
0x78: {  	_ =	shalt  }
0x79: {  	_ =	shalt  }
0x7a: {  	_ =	shalt  }
0x7b: {  	_ =	shalt  }
0x7c: {  	_ =	shalt  }
0x7d: {  	_ =	shalt  }
0x7e: {  	_ =	shalt  }
0x7f: {  	_ =	shalt  }
0x80: {  	_ =	shalt  }
0x81: {  	_ =	shalt  }
0x82: {  	_ =	shalt  }
0x83: {  	_ =	shalt  }
0x84: {  	_ =	shalt  }
0x85: {  	_ =	shalt  }
0x86: {  	_ =	shalt  }
0x87: {  	_ =	shalt  }
.Lfunc_end0:
.L_simem_size_0:
called_computation.1_lowered:
.L_overlay_start_0:
0x88: {  	s2 =	sld [smem:$0x3FD9]  }
0x89: {  	s3 =	sld [smem:$0x3FFE];
	_ =	sdelay $0x1  }
0x8a: {  	s1 =	srdreg.scid  }
0x8b: {  	s0 =	sand.u32 $0x1, s1  }
0x8c: {  	s17 =	sshll.u32 s0, $0xA;
	s2 =	sadd.s32 s3, s2  }
0x8d: {  	s2 =	sadd.s32 s2, s17  }
0x8e: {  	[smem:$0x3FC4] =	sst s2  }
0x8f: {  	_ = 	snop  }
0x90: {  	s2 =	sld [smem:$0x3FD0];
	(tm) =	ssettm $0x1  }
0x91: {  	s18 =	sld [smem:$0x3FFB];
	_ =	sdelay $0x3  }
0x92: {  	_ =	strace s18  }
0x93: {  	s3 =	sld [smem:$0x3FFC];
	_ =	sdelay $0x3  }
0x94: {  	_ =	strace s3  }
0x95: {  	s3 =	sld [smem:$0x3FFD];
	_ =	sdelay $0x3  }
0x96: {  	_ =	strace s3  }
0x97: {  	_ =	strace $0x8FFFFFFF  }
0x98: {  	s19 =	sld [smem:$0x3FDB];
	_ =	sdelay $0x1  }
0x99: {  	s4 =	simm.s32 $_scs_section_size  }
0x9a: {  	s5 =	simm.s32 $_size__tile_overlayer_lowered;
	s6 =	simm.s32 $_tile_overlayer_lowered  }
0x9b: {  	s22 =	simm.s32 $0x1BFF;
	s21 =	sshll.u32 s6, $0x1;
	s3 =	sadd.s32 s4, s19  }
0x9c: {  	s7 =	simm.s32 $0x0;
	s20 =	sshll.u32 s5, $0x1;
	s5 =	sadd.s32 s21, s3  }
0x9d: {  	[timem:s7], [sflag:s22] =	dma.local [hbm:s5], s20  }
0x9e: {  	_ =	swait.ge [sflag:s22], s20  }
0x9f: {  	s4 =	ssub.s32 $0x0, s20;
	[sflag:s22] =	ssyncset.done $0x0  }
0xa0: {  	[sflag:s22] =	ssyncadd.s32 s4;
	_ =	sdelay $0x1  }
0xa1: {  	s23 =	simm.s32 $0x1B8B  }
0xa2: {  	_ =	swait.ge [sflag:s23], $0x1  }
0xa3: {  	[sflag:s23] =	ssyncset.done $0x0  }
0xa4: {  	s25 =	simm.s32 $0x1B8E;
	s24 =	sld [smem:$0x3FFE];
	[sflag:s23] =	ssyncadd.s32 $0xFFFFFFFF  }
0xa5: {  	s26 =	simm.s32 $execute0_lowered;
	[smem:$0x3FD2] =	sst s25  }
0xa6: {  	s5 =	sshll.u32 s26, $0x1;
	_ =	strace $0x80000049;
	[dreg:$0x1] =	wrdreg $0xFFFFFFFF  }
0xa7: {  	s28 =	simm.s32 $_size_execute0_lowered;
	s3 =	sadd.s32 s3, s5;
	[dreg:$0x0] =	wrdreg $0x0  }
0xa8: {  	s5 =	sshll.u32 s28, $0x1;
	[dreg:$0x2] =	wrdreg s3  }
0xa9: {  	[dreg:$0x3] =	wrdreg s5  }
0xaa: {  	[dreg:$0x4] =	wrdreg $0xC0  }
0xab: {  	_ =	task [dreg:s7], $0x5FFFF  }
0xac: {  	[dreg:$0x1] =	wrdreg $0xFFFFFFFF  }
0xad: {  	[dreg:$0x0] =	wrdreg $0x60  }
0xae: {  	[dreg:$0x2] =	wrdreg s24  }
0xaf: {  	[dreg:$0x3] =	wrdreg s2  }
0xb0: {  	[dreg:$0x4] =	wrdreg $0x0  }
0xb1: {  	[dreg:$0x5] =	wrdreg $0x9  }
0xb2: {  	_ =	task.clear_ibuf [dreg:s7], $0x6FFFF;
	_ =	strace $0x90000049  }
0xb3: {  	s29 =	simm.s32 $0x9;
	_ =	strace $0x8000004B  }
0xb4: {  	_ =	swait.ge [sflag:s29], $0x1  }
0xb5: {  	[sflag:s29] =	ssyncadd.s32 $0xFFFFFFFF  }
0xb6: {  	_ =	strace $0x9000004B  }
0xb7: {  	_ =	sfence  }
0xb8: {  	s30 =	sld [smem:$0x0];
	_ =	sdelay $0x2  }
0xb9: {  	s31 =	sshll.u32 s1, $0xD;
	s1 =	sshrl.u32 s1, $0x2  }
0xba: {  	s3 =	sand.u32 $0x4000, s31;
	s1 =	sadd.s32 s1, s30  }
0xbb: {  	s0 =	sor.u32 s3, s0;
	s1 =	sshll.u32 s1, $0x11  }
0xbc: {  	s0 =	sor.u32 s1, s0  }
0xbd: {  	s0 =	sadd.s32 $0x8F2B, s0  }
0xbe: {  	[sflag:s0] =	ssyncadd.remote.s32 $0x1  }
0xbf: {  	_ =	sfence.sel $0xFFFF  }
0xc0: {  	[dreg:$0x0] =	wrdreg $0xFFFFFFFF;
	(pc) =	sbr.abs _section_cstart, $3  }
0xc1: {  	[dreg:$0x1] =	wrdreg $0xFFFFFFFF  }
0xc2: {  	_ =	task.clear_ibuf [dreg:s7], $0x2FFFF;
	_ =	strace $0x9FFFFFFF  }
0xc3: {  	(tm) =	ssettm $0x7FFFFFFF  }
tec
execute0_lowered:
.L_overlay_start_1:
0x0: {  	(tag) =	ssettag $0x1  }
0x1: {  	s0 =	rddreg [dreg:$0x0]  }
0x2: {  	s2 =	rddreg [dreg:$0x1]  }
0x3: {  	s1 =	rddreg [dreg:$0x2]  }
0x4: {  	s3 =	srdreg.scid;
	s11 =	stileid.u32  }
0x5: {  	s13 =	simm.s32 $0x14300;
	s15 =	simm.s32 $0x14280;
	s16 =	simm.s32 $0x14400  }
0x6: {  	s17 =	simm.s32 $0x14380;
	s18 =	simm.s32 $0x14500;
	s28 =	simm.s32 $0x14B00  }
0x7: {  	s29 =	simm.s32 $0x14A80;
	s30 =	simm.s32 $0x14C00;
	s7 =	smul.u32 $0x14000, s11  }
0x8: {  	s31 =	simm.s32 $0x14B80;
	s5 =	sand.u32 $0x1, s3;
	s19 =	smul.u32 $0x50000, s11  }
0x9: {  	s3 =	simm.s32 $0x0;
	s4 =	sadd.s32 $0x2400, s0;
	s10 =	smul.u32 $0x6000, s11  }
0xa: {  	s6 =	smul.u32 $0x140000, s5;
	[smem:$0x7FF] =	sst s3;
	s8 =	ssub.s32 $0x2, s5  }
0xb: {  	s9 =	smul.u32 $0x60000, s5;
	_ =	strace $0x8000004A;
	[dreg:$0x9] =	wrdreg s13  }
0xc: {  	s5 =	sshll.u32 s5, $0x4;
	s20 =	sshrl.u32 s8, $0x1;
	[dreg:$0xa] =	wrdreg s15  }
0xd: {  	s21 =	sor.u32 s11, s5;
	s5 =	simm.s32 $0x14080;
	[dreg:$0xb] =	wrdreg s16  }
0xe: {  	s11 =	simm.s32 $0x14180;
	s15 =	simm.s32 $0x5;
	[dreg:$0xc] =	wrdreg s17  }
0xf: {  	s16 =	simm.s32 $0x14000;
	s17 =	simm.s32 $0x1;
	[dreg:$0xd] =	wrdreg s18  }
0x10: {  	s18 =	simm.s32 $0x14800;
	s6 =	sadd.s32 s7, s6;
	s7 =	sshrl.u32 s19, $0x2  }
0x11: {  	s22 =	sadd.s32 s10, s9;
	[dreg:$0x6] =	wrdreg s5;
	s10 =	simm.s32 $0x14200  }
0x12: {  	[dreg:$0x8] =	wrdreg s11;
	s19 =	simm.s32 $0x14480;
	s11 =	simm.s32 $0x14F80  }
0x13: {  	s12 =	sadd.s32 s7, s1;
	s9 =	sor.u32 $0x1800, s22;
	[dreg:$0x7] =	wrdreg s10  }
0x14: {  	s7 =	sor.u32 $0x1000, s22;
	[dreg:$0xe] =	wrdreg s19;
	s22 =	simm.s32 $0x14700  }
0x15: {  	s6 =	sshrl.u32 s6, $0x3;
	s19 =	simm.s32 $0x80;
	[dreg:$0x11] =	wrdreg s22  }
0x16: {  	s10 =	simm.s32 $0x0;
	s23 =	sadd.s32 $0x4000, s12;
	[dreg:$0x16] =	wrdreg s12  }
0x17: {  	s0 =	sadd.s32 s6, s0;
	s24 =	sadd.s32 $0x8000, s12;
	[dreg:$0x17] =	wrdreg s23  }
0x18: {  	s6 =	ssub.s32 s8, s20;
	s25 =	sadd.s32 $0xC000, s12;
	[dreg:$0x18] =	wrdreg s24  }
0x19: {  	s9 =	sshrl.u32 s9, $0x3;
	s26 =	sadd.s32 $0x10000, s12;
	[dreg:$0x19] =	wrdreg s25  }
0x1a: {  	s8 =	smul.u32 $0x6000, s21;
	s20 =	simm.s32 $0x14600;
	[dreg:$0x1a] =	wrdreg s26  }
0x1b: {  	s7 =	sshrl.u32 s7, $0x3;
	s21 =	simm.s32 $0x14580;
	[dreg:$0xf] =	wrdreg s20  }
0x1c: {  	s22 =	simm.s32 $0x3;
	s9 =	sadd.s32 s9, s2;
	[dreg:$0x10] =	wrdreg s21  }
0x1d: {  	s7 =	sadd.s32 s7, s2;
	s0 =	sadd.s32 $0x2A400, s0;
	[dreg:$0x4] =	wrdreg s9  }
0x1e: {  	s14 =	smax.u32 s6, $0x1;
	s20 =	simm.s32 $0x14100;
	[dreg:$0x5] =	wrdreg s7  }
0x1f: {  	s21 =	simm.s32 $0x19000;
	s23 =	simm.s32 $0x14680;
	[dreg:$0x1d] =	wrdreg s0  }
0x20: {  	s24 =	simm.s32 $0x14780;
	s25 =	simm.s32 $0x14900;
	[dreg:$0x1e] =	wrdreg s14  }
0x21: {  	s26 =	simm.s32 $0x14880;
	s6 =	simm.s32 $0x14E00;
	[dreg:$0x12] =	wrdreg s23  }
0x22: {  	s8 =	sshrl.u32 s8, $0x3;
	s14 =	simm.s32 $0x15000;
	[dreg:$0x13] =	wrdreg s24  }
0x23: {  	s23 =	simm.s32 $0x4;
	s24 =	simm.s32 $0x2;
	[dreg:$0x14] =	wrdreg s25  }
0x24: {  	[dreg:$0x15] =	wrdreg s26;
	s25 =	simm.s32 $0x14A00;
	s26 =	simm.s32 $0x14980  }
0x25: {  	s0 =	simm.s32 $0x14D00;
	s7 =	simm.s32 $0x14D80;
	s9 =	sadd.s32 s2, s8  }
0x26: {  	s2 =	simm.s32 $0x14C80;
	[dreg:$0x1b] =	wrdreg s9;
	s5 =	sadd.s32 $0x100, s9  }
0x27: {  	v0 =	vimm.f32 $0.0e+00;
	s8 =	simm.s32 $0x14F00;
	s9 =	simm.s32 $0x14E80;
	[dreg:$0x1c] =	wrdreg s5  }
.LBB2_1:
0x28: {  	[dreg:$0x1f] =	wrdreg s10;
	s10 =	simm.s32 $0x0;
	s13 =	simm.s32 $0x200  }
.LBB2_2:
0x29: {  	p0 =	sne.s32 s13, $0xFE00;
	[tilespmem:s10+$0x15070] =	vst v0  }
0x2a: {  	[tilespmem:s10+$0x15000] =	vst v0  }
0x2b: {  	[tilespmem:s10+$0x15010] =	vst v0  }
.Ltmp0:
0x2c: {  	[tilespmem:s10+$0x15020] =	vst v0;
	(pc) =	sbr.rel @p0 .LBB2_2-.Ltmp0, $4  }
0x2d: {  	[tilespmem:s10+$0x15030] =	vst v0  }
0x2e: {  	[tilespmem:s10+$0x15040] =	vst v0  }
0x2f: {  	[tilespmem:s10+$0x15050] =	vst v0  }
0x30: {  	[tilespmem:s10+$0x15060] =	vst v0;
	s10 =	sshra.s32 s13, $0x2;
	s13 =	sadd.s32 $0x200, s13  }
0x31: {  	[tilespmem:s10+$0x15070] =	vst v0  }
0x32: {  	[tilespmem:s10+$0x15000] =	vst v0  }
0x33: {  	[tilespmem:s10+$0x15010] =	vst v0  }
0x34: {  	[tilespmem:s10+$0x15020] =	vst v0  }
0x35: {  	[tilespmem:s10+$0x15030] =	vst v0  }
0x36: {  	[tilespmem:s10+$0x15040] =	vst v0  }
0x37: {  	[tilespmem:s10+$0x15050] =	vst v0  }
0x38: {  	[tilespmem:s10+$0x15060] =	vst v0  }
0x39: {  	[spmem:s12] =	stream.linear.scatter [tilespmem:s14], [sflag:$0x5], $0x4000, $0x38;
	[tilespmem:$0x1D000] =	vst v63  }
0x3a: {  	_ =	swait.ge [sflag:s15], $0x4000  }
0x3b: {  	[sflag:s15] =	ssyncset.done $0x0  }
0x3c: {  	s5 =	rddreg [dreg:$0x17];
	[sflag:s15] =	ssyncadd.s32 $0xFFFFC000  }
0x3d: {  	[spmem:s5] =	stream.linear.scatter [tilespmem:s14], [sflag:$0x5], $0x4000, $0x38;
	[tilespmem:$0x1D000] =	vst v63  }
0x3e: {  	_ =	swait.ge [sflag:s15], $0x4000  }
0x3f: {  	[sflag:s15] =	ssyncset.done $0x0  }
0x40: {  	s13 =	rddreg [dreg:$0x18];
	[sflag:s15] =	ssyncadd.s32 $0xFFFFC000  }
0x41: {  	[spmem:s13] =	stream.linear.scatter [tilespmem:s14], [sflag:$0x5], $0x4000, $0x38;
	[tilespmem:$0x1D000] =	vst v63  }
0x42: {  	_ =	swait.ge [sflag:s15], $0x4000  }
0x43: {  	[sflag:s15] =	ssyncset.done $0x0  }
0x44: {  	s10 =	rddreg [dreg:$0x19];
	[sflag:s15] =	ssyncadd.s32 $0xFFFFC000  }
0x45: {  	[spmem:s10] =	stream.linear.scatter [tilespmem:s14], [sflag:$0x5], $0x4000, $0x38;
	[tilespmem:$0x1D000] =	vst v63  }
0x46: {  	_ =	swait.ge [sflag:s15], $0x4000  }
0x47: {  	[sflag:s15] =	ssyncset.done $0x0  }
0x48: {  	s12 =	rddreg [dreg:$0x1a];
	[sflag:s15] =	ssyncadd.s32 $0xFFFFC000  }
0x49: {  	[spmem:s12] =	stream.linear.scatter [tilespmem:s14], [sflag:$0x5], $0x4000, $0x38;
	[tilespmem:$0x1D000] =	vst v63  }
0x4a: {  	_ =	swait.ge [sflag:s15], $0x4000  }
0x4b: {  	[sflag:s15] =	ssyncset.done $0x0  }
0x4c: {  	s10 =	simm.s32 $0x0;
	s13 =	rddreg [dreg:$0x1b];
	[sflag:s15] =	ssyncadd.s32 $0xFFFFC000  }
0x4d: {  	[tilespmem:s16], [sflag:$0x1] =	stream.linear.gather [hbm4b:s13+s10], $0x800, $0x38;
	[tilespmem:$0x1D000] =	vst v63  }
0x4e: {  	_ =	swait.ge [sflag:s17], $0x800  }
0x4f: {  	[sflag:s17] =	ssyncset.done $0x0  }
0x50: {  	s12 =	rddreg [dreg:$0x1c];
	[sflag:s17] =	ssyncadd.s32 $0xFFFFF800  }
0x51: {  	[tilespmem:s18], [sflag:$0x2] =	stream.linear.gather [hbm4b:s12+s10], $0x800, $0x38;
	[tilespmem:$0x1D000] =	vst v63  }
0x52: {  	_ = 	snop  }
0x53: {  	[tilespmem:s14], [sflag:$0x3] =	stream.indirect.gather [hbm4b:s4+s19], $0x80, s16, s19, $0xb8;
	[tilespmem:$0x1D000] =	vst v63  }
0x54: {  	_ = 	snop  }
0x55: {  	[tilespmem:s21], [sflag:$0x4] =	stream.indirect.gather [hbm4b:s4+s19], $0x80, s20, s19, $0xb8;
	[tilespmem:$0x1D000] =	vst v63  }
0x56: {  	[bflag:$0x0] =	sbarrier.arrive $0xFFFF  }
0x57: {  	_ =	swait.ge [sflag:s22], $0x4000  }
0x58: {  	[sflag:s22] =	ssyncset.done $0x0  }
0x59: {  	s13 =	rddreg [dreg:$0x6];
	[sflag:s22] =	ssyncadd.s32 $0xFFFFC000  }
0x5a: {  	[spmem:s1] =	stream.indirect.scatter.add.f32 [tilespmem:s14], [sflag:$0x5], $0x80, s13, s19, $0xb8;
	[tilespmem:$0x1D000] =	vst v63  }
0x5b: {  	_ =	swait.ge [sflag:s15], $0x4000  }
0x5c: {  	[sflag:s15] =	ssyncset.done $0x0  }
0x5d: {  	s5 =	rddreg [dreg:$0x7];
	[sflag:s15] =	ssyncadd.s32 $0xFFFFC000  }
0x5e: {  	[tilespmem:s14], [sflag:$0x3] =	stream.indirect.gather [hbm4b:s4+s19], $0x80, s5, s19, $0xb8;
	[tilespmem:$0x1D000] =	vst v63  }
0x5f: {  	_ =	swait.ge [sflag:s23], $0x4000  }
0x60: {  	[sflag:s23] =	ssyncset.done $0x0  }
0x61: {  	s12 =	rddreg [dreg:$0x8];
	[sflag:s23] =	ssyncadd.s32 $0xFFFFC000  }
0x62: {  	[spmem:s1] =	stream.indirect.scatter.add.f32 [tilespmem:s21], [sflag:$0x5], $0x80, s12, s19, $0xb8;
	[tilespmem:$0x1D000] =	vst v63  }
0x63: {  	_ =	swait.ge [sflag:s15], $0x4000  }
0x64: {  	[sflag:s15] =	ssyncset.done $0x0  }
0x65: {  	s13 =	rddreg [dreg:$0x9];
	[sflag:s15] =	ssyncadd.s32 $0xFFFFC000  }
0x66: {  	[tilespmem:s21], [sflag:$0x4] =	stream.indirect.gather [hbm4b:s4+s19], $0x80, s13, s19, $0xb8;
	[tilespmem:$0x1D000] =	vst v63  }
0x67: {  	_ =	swait.ge [sflag:s22], $0x4000  }
0x68: {  	[sflag:s22] =	ssyncset.done $0x0  }
0x69: {  	s5 =	rddreg [dreg:$0xa];
	[sflag:s22] =	ssyncadd.s32 $0xFFFFC000  }
0x6a: {  	[spmem:s1] =	stream.indirect.scatter.add.f32 [tilespmem:s14], [sflag:$0x5], $0x80, s5, s19, $0xb8;
	[tilespmem:$0x1D000] =	vst v63  }
0x6b: {  	_ =	swait.ge [sflag:s15], $0x4000  }
0x6c: {  	[sflag:s15] =	ssyncset.done $0x0  }
0x6d: {  	s12 =	rddreg [dreg:$0xb];
	[sflag:s15] =	ssyncadd.s32 $0xFFFFC000  }
0x6e: {  	[tilespmem:s14], [sflag:$0x3] =	stream.indirect.gather [hbm4b:s4+s19], $0x80, s12, s19, $0xb8;
	[tilespmem:$0x1D000] =	vst v63  }
0x6f: {  	_ =	swait.ge [sflag:s23], $0x4000  }
0x70: {  	[sflag:s23] =	ssyncset.done $0x0  }
0x71: {  	s13 =	rddreg [dreg:$0xc];
	[sflag:s23] =	ssyncadd.s32 $0xFFFFC000  }
0x72: {  	[spmem:s1] =	stream.indirect.scatter.add.f32 [tilespmem:s21], [sflag:$0x5], $0x80, s13, s19, $0xb8;
	[tilespmem:$0x1D000] =	vst v63  }
0x73: {  	_ =	swait.ge [sflag:s15], $0x4000  }
0x74: {  	[sflag:s15] =	ssyncset.done $0x0  }
0x75: {  	s5 =	rddreg [dreg:$0xd];
	[sflag:s15] =	ssyncadd.s32 $0xFFFFC000  }
0x76: {  	[tilespmem:s21], [sflag:$0x4] =	stream.indirect.gather [hbm4b:s4+s19], $0x80, s5, s19, $0xb8;
	[tilespmem:$0x1D000] =	vst v63  }
0x77: {  	_ =	swait.ge [sflag:s22], $0x4000  }
0x78: {  	[sflag:s22] =	ssyncset.done $0x0  }
0x79: {  	s12 =	rddreg [dreg:$0xe];
	[sflag:s22] =	ssyncadd.s32 $0xFFFFC000  }
0x7a: {  	[spmem:s1] =	stream.indirect.scatter.add.f32 [tilespmem:s14], [sflag:$0x5], $0x80, s12, s19, $0xb8;
	[tilespmem:$0x1D000] =	vst v63  }
0x7b: {  	_ =	swait.ge [sflag:s15], $0x4000  }
0x7c: {  	[sflag:s15] =	ssyncset.done $0x0  }
0x7d: {  	s13 =	rddreg [dreg:$0xf];
	[sflag:s15] =	ssyncadd.s32 $0xFFFFC000  }
0x7e: {  	[tilespmem:s14], [sflag:$0x3] =	stream.indirect.gather [hbm4b:s4+s19], $0x80, s13, s19, $0xb8;
	[tilespmem:$0x1D000] =	vst v63  }
0x7f: {  	_ =	swait.ge [sflag:s23], $0x4000  }
0x80: {  	[sflag:s23] =	ssyncset.done $0x0  }
0x81: {  	s5 =	rddreg [dreg:$0x10];
	[sflag:s23] =	ssyncadd.s32 $0xFFFFC000  }
0x82: {  	[spmem:s1] =	stream.indirect.scatter.add.f32 [tilespmem:s21], [sflag:$0x5], $0x80, s5, s19, $0xb8;
	[tilespmem:$0x1D000] =	vst v63  }
0x83: {  	_ =	swait.ge [sflag:s15], $0x4000  }
0x84: {  	[sflag:s15] =	ssyncset.done $0x0  }
0x85: {  	s12 =	rddreg [dreg:$0x11];
	[sflag:s15] =	ssyncadd.s32 $0xFFFFC000  }
0x86: {  	[tilespmem:s21], [sflag:$0x4] =	stream.indirect.gather [hbm4b:s4+s19], $0x80, s12, s19, $0xb8;
	[tilespmem:$0x1D000] =	vst v63  }
0x87: {  	_ =	swait.ge [sflag:s22], $0x4000  }
0x88: {  	[sflag:s22] =	ssyncset.done $0x0  }
0x89: {  	s13 =	rddreg [dreg:$0x12];
	[sflag:s22] =	ssyncadd.s32 $0xFFFFC000  }
0x8a: {  	[spmem:s1] =	stream.indirect.scatter.add.f32 [tilespmem:s14], [sflag:$0x5], $0x80, s13, s19, $0xb8;
	[tilespmem:$0x1D000] =	vst v63  }
0x8b: {  	_ =	swait.ge [sflag:s15], $0x4000  }
0x8c: {  	[sflag:s15] =	ssyncset.done $0x0  }
0x8d: {  	[sflag:s15] =	ssyncadd.s32 $0xFFFFC000  }
0x8e: {  	_ =	swait.ge [sflag:s24], $0x800  }
0x8f: {  	[sflag:s24] =	ssyncset.done $0x0  }
0x90: {  	[sflag:s24] =	ssyncadd.s32 $0xFFFFF800  }
0x91: {  	[tilespmem:s14], [sflag:$0x3] =	stream.indirect.gather [hbm4b:s4+s19], $0x80, s18, s19, $0xb8;
	[tilespmem:$0x1D000] =	vst v63  }
0x92: {  	_ =	swait.ge [sflag:s23], $0x4000  }
0x93: {  	[sflag:s23] =	ssyncset.done $0x0  }
0x94: {  	s5 =	rddreg [dreg:$0x13];
	[sflag:s23] =	ssyncadd.s32 $0xFFFFC000  }
0x95: {  	[spmem:s1] =	stream.indirect.scatter.add.f32 [tilespmem:s21], [sflag:$0x5], $0x80, s5, s19, $0xb8;
	[tilespmem:$0x1D000] =	vst v63  }
0x96: {  	_ =	swait.ge [sflag:s15], $0x4000  }
0x97: {  	s12 =	rddreg [dreg:$0x14];
	[sflag:s15] =	ssyncset.done $0x0  }
0x98: {  	s13 =	rddreg [dreg:$0x5];
	[sflag:s15] =	ssyncadd.s32 $0xFFFFC000  }
0x99: {  	[tilespmem:s21], [sflag:$0x4] =	stream.indirect.gather [hbm4b:s4+s19], $0x80, s12, s19, $0xb8;
	[tilespmem:$0x1D000] =	vst v63  }
0x9a: {  	s13 =	sadd.s32 $0x0, s13  }
0x9b: {  	[tilespmem:s16], [sflag:$0x1] =	stream.linear.gather [hbm4b:s13+s3], $0x800, $0x38;
	[tilespmem:$0x1D000] =	vst v63  }
0x9c: {  	_ =	swait.ge [sflag:s22], $0x4000  }
0x9d: {  	[sflag:s22] =	ssyncset.done $0x0  }
0x9e: {  	s5 =	rddreg [dreg:$0x15];
	[sflag:s22] =	ssyncadd.s32 $0xFFFFC000  }
0x9f: {  	[spmem:s1] =	stream.indirect.scatter.add.f32 [tilespmem:s14], [sflag:$0x5], $0x80, s5, s19, $0xb8;
	[tilespmem:$0x1D000] =	vst v63  }
0xa0: {  	_ =	swait.ge [sflag:s15], $0x4000  }
0xa1: {  	[sflag:s15] =	ssyncset.done $0x0  }
0xa2: {  	[sflag:s15] =	ssyncadd.s32 $0xFFFFC000  }
0xa3: {  	[tilespmem:s14], [sflag:$0x3] =	stream.indirect.gather [hbm4b:s4+s19], $0x80, s25, s19, $0xb8;
	[tilespmem:$0x1D000] =	vst v63  }
0xa4: {  	_ =	swait.ge [sflag:s23], $0x4000  }
0xa5: {  	[sflag:s23] =	ssyncset.done $0x0  }
0xa6: {  	[sflag:s23] =	ssyncadd.s32 $0xFFFFC000  }
0xa7: {  	[spmem:s1] =	stream.indirect.scatter.add.f32 [tilespmem:s21], [sflag:$0x5], $0x80, s26, s19, $0xb8;
	[tilespmem:$0x1D000] =	vst v63  }
0xa8: {  	_ =	swait.ge [sflag:s15], $0x4000  }
0xa9: {  	[sflag:s15] =	ssyncset.done $0x0  }
0xaa: {  	[sflag:s15] =	ssyncadd.s32 $0xFFFFC000  }
0xab: {  	[tilespmem:s21], [sflag:$0x4] =	stream.indirect.gather [hbm4b:s4+s19], $0x80, s28, s19, $0xb8;
	[tilespmem:$0x1D000] =	vst v63  }
0xac: {  	_ =	swait.ge [sflag:s22], $0x4000  }
0xad: {  	[sflag:s22] =	ssyncset.done $0x0  }
0xae: {  	[sflag:s22] =	ssyncadd.s32 $0xFFFFC000  }
0xaf: {  	[spmem:s1] =	stream.indirect.scatter.add.f32 [tilespmem:s14], [sflag:$0x5], $0x80, s29, s19, $0xb8;
	[tilespmem:$0x1D000] =	vst v63  }
0xb0: {  	_ =	swait.ge [sflag:s15], $0x4000  }
0xb1: {  	[sflag:s15] =	ssyncset.done $0x0  }
0xb2: {  	[sflag:s15] =	ssyncadd.s32 $0xFFFFC000  }
0xb3: {  	[tilespmem:s14], [sflag:$0x3] =	stream.indirect.gather [hbm4b:s4+s19], $0x80, s30, s19, $0xb8;
	[tilespmem:$0x1D000] =	vst v63  }
0xb4: {  	_ =	swait.ge [sflag:s23], $0x4000  }
0xb5: {  	[sflag:s23] =	ssyncset.done $0x0  }
0xb6: {  	[sflag:s23] =	ssyncadd.s32 $0xFFFFC000  }
0xb7: {  	[spmem:s1] =	stream.indirect.scatter.add.f32 [tilespmem:s21], [sflag:$0x5], $0x80, s31, s19, $0xb8;
	[tilespmem:$0x1D000] =	vst v63  }
0xb8: {  	_ =	swait.ge [sflag:s15], $0x4000  }
0xb9: {  	[sflag:s15] =	ssyncset.done $0x0  }
0xba: {  	[sflag:s15] =	ssyncadd.s32 $0xFFFFC000  }
0xbb: {  	[tilespmem:s21], [sflag:$0x4] =	stream.indirect.gather [hbm4b:s4+s19], $0x80, s0, s19, $0xb8;
	[tilespmem:$0x1D000] =	vst v63  }
0xbc: {  	_ =	swait.ge [sflag:s22], $0x4000  }
0xbd: {  	[sflag:s22] =	ssyncset.done $0x0  }
0xbe: {  	[sflag:s22] =	ssyncadd.s32 $0xFFFFC000  }
0xbf: {  	[spmem:s1] =	stream.indirect.scatter.add.f32 [tilespmem:s14], [sflag:$0x5], $0x80, s2, s19, $0xb8;
	[tilespmem:$0x1D000] =	vst v63  }
0xc0: {  	_ =	swait.ge [sflag:s15], $0x4000  }
0xc1: {  	[sflag:s15] =	ssyncset.done $0x0  }
0xc2: {  	[sflag:s15] =	ssyncadd.s32 $0xFFFFC000  }
0xc3: {  	[tilespmem:s14], [sflag:$0x3] =	stream.indirect.gather [hbm4b:s4+s19], $0x80, s6, s19, $0xb8;
	[tilespmem:$0x1D000] =	vst v63  }
0xc4: {  	_ =	swait.ge [sflag:s23], $0x4000  }
0xc5: {  	[sflag:s23] =	ssyncset.done $0x0  }
0xc6: {  	[sflag:s23] =	ssyncadd.s32 $0xFFFFC000  }
0xc7: {  	[spmem:s1] =	stream.indirect.scatter.add.f32 [tilespmem:s21], [sflag:$0x5], $0x80, s7, s19, $0xb8;
	[tilespmem:$0x1D000] =	vst v63  }
0xc8: {  	_ =	swait.ge [sflag:s15], $0x4000  }
0xc9: {  	[sflag:s15] =	ssyncset.done $0x0  }
0xca: {  	[sflag:s15] =	ssyncadd.s32 $0xFFFFC000  }
0xcb: {  	[tilespmem:s21], [sflag:$0x4] =	stream.indirect.gather [hbm4b:s4+s19], $0x80, s8, s19, $0xb8;
	[tilespmem:$0x1D000] =	vst v63  }
0xcc: {  	_ =	swait.ge [sflag:s22], $0x4000  }
0xcd: {  	[sflag:s22] =	ssyncset.done $0x0  }
0xce: {  	[sflag:s22] =	ssyncadd.s32 $0xFFFFC000  }
0xcf: {  	[spmem:s1] =	stream.indirect.scatter.add.f32 [tilespmem:s14], [sflag:$0x5], $0x80, s9, s19, $0xb8;
	[tilespmem:$0x1D000] =	vst v63  }
0xd0: {  	_ =	swait.ge [sflag:s15], $0x4000  }
0xd1: {  	[sflag:s15] =	ssyncset.done $0x0  }
0xd2: {  	[sflag:s15] =	ssyncadd.s32 $0xFFFFC000  }
0xd3: {  	_ =	swait.ge [sflag:s17], $0x800  }
0xd4: {  	[sflag:s17] =	ssyncset.done $0x0  }
0xd5: {  	[sflag:s17] =	ssyncadd.s32 $0xFFFFF800  }
0xd6: {  	[tilespmem:s14], [sflag:$0x3] =	stream.indirect.gather [hbm4b:s4+s19], $0x80, s16, s19, $0xb8;
	[tilespmem:$0x1D000] =	vst v63  }
0xd7: {  	_ =	swait.ge [sflag:s23], $0x4000  }
0xd8: {  	[sflag:s23] =	ssyncset.done $0x0  }
0xd9: {  	[sflag:s23] =	ssyncadd.s32 $0xFFFFC000  }
0xda: {  	[spmem:s1] =	stream.indirect.scatter.add.f32 [tilespmem:s21], [sflag:$0x5], $0x80, s11, s19, $0xb8;
	[tilespmem:$0x1D000] =	vst v63  }
0xdb: {  	_ =	swait.ge [sflag:s15], $0x4000  }
0xdc: {  	[sflag:s15] =	ssyncset.done $0x0;
	s12 =	rddreg [dreg:$0x4]  }
0xdd: {  	s13 =	simm.s32 $0x200;
	[sflag:s15] =	ssyncadd.s32 $0xFFFFC000;
	s10 =	sadd.s32 $0x0, s12  }
0xde: {  	[tilespmem:s21], [sflag:$0x4] =	stream.indirect.gather [hbm4b:s4+s19], $0x80, s20, s19, $0xb8;
	[tilespmem:$0x1D000] =	vst v63  }
.LBB2_4:
0xdf: {  	[tilespmem:s18], [sflag:$0x2] =	stream.linear.gather [hbm4b:s10+s3], $0x800, $0x38;
	[tilespmem:$0x1D000] =	vst v63  }
0xe0: {  	_ =	swait.ge [sflag:s22], $0x4000  }
0xe1: {  	[sflag:s22] =	ssyncset.done $0x0  }
0xe2: {  	s5 =	rddreg [dreg:$0x6];
	[sflag:s22] =	ssyncadd.s32 $0xFFFFC000  }
0xe3: {  	[spmem:s1] =	stream.indirect.scatter.add.f32 [tilespmem:s14], [sflag:$0x5], $0x80, s5, s19, $0xb8;
	[tilespmem:$0x1D000] =	vst v63  }
0xe4: {  	_ =	swait.ge [sflag:s15], $0x4000  }
0xe5: {  	[sflag:s15] =	ssyncset.done $0x0  }
0xe6: {  	s12 =	rddreg [dreg:$0x7];
	[sflag:s15] =	ssyncadd.s32 $0xFFFFC000  }
0xe7: {  	[tilespmem:s14], [sflag:$0x3] =	stream.indirect.gather [hbm4b:s4+s19], $0x80, s12, s19, $0xb8;
	[tilespmem:$0x1D000] =	vst v63  }
0xe8: {  	_ =	swait.ge [sflag:s23], $0x4000  }
0xe9: {  	[sflag:s23] =	ssyncset.done $0x0  }
0xea: {  	s12 =	rddreg [dreg:$0x8];
	[sflag:s23] =	ssyncadd.s32 $0xFFFFC000  }
0xeb: {  	[spmem:s1] =	stream.indirect.scatter.add.f32 [tilespmem:s21], [sflag:$0x5], $0x80, s12, s19, $0xb8;
	[tilespmem:$0x1D000] =	vst v63  }
0xec: {  	_ =	swait.ge [sflag:s15], $0x4000  }
0xed: {  	[sflag:s15] =	ssyncset.done $0x0  }
0xee: {  	s12 =	rddreg [dreg:$0x9];
	[sflag:s15] =	ssyncadd.s32 $0xFFFFC000  }
0xef: {  	[tilespmem:s21], [sflag:$0x4] =	stream.indirect.gather [hbm4b:s4+s19], $0x80, s12, s19, $0xb8;
	[tilespmem:$0x1D000] =	vst v63  }
0xf0: {  	_ =	swait.ge [sflag:s22], $0x4000  }
0xf1: {  	[sflag:s22] =	ssyncset.done $0x0  }
0xf2: {  	s12 =	rddreg [dreg:$0xa];
	[sflag:s22] =	ssyncadd.s32 $0xFFFFC000  }
0xf3: {  	[spmem:s1] =	stream.indirect.scatter.add.f32 [tilespmem:s14], [sflag:$0x5], $0x80, s12, s19, $0xb8;
	[tilespmem:$0x1D000] =	vst v63  }
0xf4: {  	_ =	swait.ge [sflag:s15], $0x4000  }
0xf5: {  	[sflag:s15] =	ssyncset.done $0x0  }
0xf6: {  	s12 =	rddreg [dreg:$0xb];
	[sflag:s15] =	ssyncadd.s32 $0xFFFFC000  }
0xf7: {  	[tilespmem:s14], [sflag:$0x3] =	stream.indirect.gather [hbm4b:s4+s19], $0x80, s12, s19, $0xb8;
	[tilespmem:$0x1D000] =	vst v63  }
0xf8: {  	_ =	swait.ge [sflag:s23], $0x4000  }
0xf9: {  	[sflag:s23] =	ssyncset.done $0x0  }
0xfa: {  	s12 =	rddreg [dreg:$0xc];
	[sflag:s23] =	ssyncadd.s32 $0xFFFFC000  }
0xfb: {  	[spmem:s1] =	stream.indirect.scatter.add.f32 [tilespmem:s21], [sflag:$0x5], $0x80, s12, s19, $0xb8;
	[tilespmem:$0x1D000] =	vst v63  }
0xfc: {  	_ =	swait.ge [sflag:s15], $0x4000  }
0xfd: {  	[sflag:s15] =	ssyncset.done $0x0  }
0xfe: {  	s12 =	rddreg [dreg:$0xd];
	[sflag:s15] =	ssyncadd.s32 $0xFFFFC000  }
0xff: {  	[tilespmem:s21], [sflag:$0x4] =	stream.indirect.gather [hbm4b:s4+s19], $0x80, s12, s19, $0xb8;
	[tilespmem:$0x1D000] =	vst v63  }
0x100: {  	_ =	swait.ge [sflag:s22], $0x4000  }
0x101: {  	[sflag:s22] =	ssyncset.done $0x0  }
0x102: {  	s12 =	rddreg [dreg:$0xe];
	[sflag:s22] =	ssyncadd.s32 $0xFFFFC000  }
0x103: {  	[spmem:s1] =	stream.indirect.scatter.add.f32 [tilespmem:s14], [sflag:$0x5], $0x80, s12, s19, $0xb8;
	[tilespmem:$0x1D000] =	vst v63  }
0x104: {  	_ =	swait.ge [sflag:s15], $0x4000  }
0x105: {  	[sflag:s15] =	ssyncset.done $0x0  }
0x106: {  	s12 =	rddreg [dreg:$0xf];
	[sflag:s15] =	ssyncadd.s32 $0xFFFFC000  }
0x107: {  	[tilespmem:s14], [sflag:$0x3] =	stream.indirect.gather [hbm4b:s4+s19], $0x80, s12, s19, $0xb8;
	[tilespmem:$0x1D000] =	vst v63  }
0x108: {  	_ =	swait.ge [sflag:s23], $0x4000  }
0x109: {  	[sflag:s23] =	ssyncset.done $0x0  }
0x10a: {  	s12 =	rddreg [dreg:$0x10];
	[sflag:s23] =	ssyncadd.s32 $0xFFFFC000  }
0x10b: {  	[spmem:s1] =	stream.indirect.scatter.add.f32 [tilespmem:s21], [sflag:$0x5], $0x80, s12, s19, $0xb8;
	[tilespmem:$0x1D000] =	vst v63  }
0x10c: {  	_ =	swait.ge [sflag:s15], $0x4000  }
0x10d: {  	[sflag:s15] =	ssyncset.done $0x0  }
0x10e: {  	s12 =	rddreg [dreg:$0x11];
	[sflag:s15] =	ssyncadd.s32 $0xFFFFC000  }
0x10f: {  	[tilespmem:s21], [sflag:$0x4] =	stream.indirect.gather [hbm4b:s4+s19], $0x80, s12, s19, $0xb8;
	[tilespmem:$0x1D000] =	vst v63  }
0x110: {  	_ =	swait.ge [sflag:s22], $0x4000  }
0x111: {  	[sflag:s22] =	ssyncset.done $0x0  }
0x112: {  	s12 =	rddreg [dreg:$0x12];
	[sflag:s22] =	ssyncadd.s32 $0xFFFFC000  }
0x113: {  	[spmem:s1] =	stream.indirect.scatter.add.f32 [tilespmem:s14], [sflag:$0x5], $0x80, s12, s19, $0xb8;
	[tilespmem:$0x1D000] =	vst v63  }
0x114: {  	_ =	swait.ge [sflag:s15], $0x4000  }
0x115: {  	[sflag:s15] =	ssyncset.done $0x0  }
0x116: {  	[sflag:s15] =	ssyncadd.s32 $0xFFFFC000  }
0x117: {  	_ =	swait.ge [sflag:s24], $0x800  }
0x118: {  	[sflag:s24] =	ssyncset.done $0x0  }
0x119: {  	[sflag:s24] =	ssyncadd.s32 $0xFFFFF800  }
0x11a: {  	[tilespmem:s14], [sflag:$0x3] =	stream.indirect.gather [hbm4b:s4+s19], $0x80, s18, s19, $0xb8;
	[tilespmem:$0x1D000] =	vst v63  }
0x11b: {  	_ =	swait.ge [sflag:s23], $0x4000  }
0x11c: {  	[sflag:s23] =	ssyncset.done $0x0  }
0x11d: {  	s12 =	rddreg [dreg:$0x13];
	[sflag:s23] =	ssyncadd.s32 $0xFFFFC000  }
0x11e: {  	[spmem:s1] =	stream.indirect.scatter.add.f32 [tilespmem:s21], [sflag:$0x5], $0x80, s12, s19, $0xb8;
	[tilespmem:$0x1D000] =	vst v63  }
0x11f: {  	_ =	swait.ge [sflag:s15], $0x4000  }
0x120: {  	s5 =	rddreg [dreg:$0x14];
	[sflag:s15] =	ssyncset.done $0x0  }
0x121: {  	s10 =	smov.u32 s13;
	s12 =	rddreg [dreg:$0x5];
	[sflag:s15] =	ssyncadd.s32 $0xFFFFC000  }
0x122: {  	[tilespmem:s21], [sflag:$0x4] =	stream.indirect.gather [hbm4b:s4+s19], $0x80, s5, s19, $0xb8;
	[tilespmem:$0x1D000] =	vst v63  }
0x123: {  	s12 =	sadd.s32 s10, s12  }
0x124: {  	[tilespmem:s16], [sflag:$0x1] =	stream.linear.gather [hbm4b:s12+s3], $0x800, $0x38;
	[tilespmem:$0x1D000] =	vst v63  }
0x125: {  	_ =	swait.ge [sflag:s22], $0x4000  }
0x126: {  	[sflag:s22] =	ssyncset.done $0x0  }
0x127: {  	s12 =	rddreg [dreg:$0x15];
	[sflag:s22] =	ssyncadd.s32 $0xFFFFC000  }
0x128: {  	[spmem:s1] =	stream.indirect.scatter.add.f32 [tilespmem:s14], [sflag:$0x5], $0x80, s12, s19, $0xb8;
	[tilespmem:$0x1D000] =	vst v63  }
0x129: {  	_ =	swait.ge [sflag:s15], $0x4000  }
0x12a: {  	[sflag:s15] =	ssyncset.done $0x0  }
0x12b: {  	[sflag:s15] =	ssyncadd.s32 $0xFFFFC000  }
0x12c: {  	[tilespmem:s14], [sflag:$0x3] =	stream.indirect.gather [hbm4b:s4+s19], $0x80, s25, s19, $0xb8;
	[tilespmem:$0x1D000] =	vst v63  }
0x12d: {  	_ =	swait.ge [sflag:s23], $0x4000  }
0x12e: {  	[sflag:s23] =	ssyncset.done $0x0  }
0x12f: {  	[sflag:s23] =	ssyncadd.s32 $0xFFFFC000  }
0x130: {  	[spmem:s1] =	stream.indirect.scatter.add.f32 [tilespmem:s21], [sflag:$0x5], $0x80, s26, s19, $0xb8;
	[tilespmem:$0x1D000] =	vst v63  }
0x131: {  	_ =	swait.ge [sflag:s15], $0x4000  }
0x132: {  	[sflag:s15] =	ssyncset.done $0x0  }
0x133: {  	[sflag:s15] =	ssyncadd.s32 $0xFFFFC000  }
0x134: {  	[tilespmem:s21], [sflag:$0x4] =	stream.indirect.gather [hbm4b:s4+s19], $0x80, s28, s19, $0xb8;
	[tilespmem:$0x1D000] =	vst v63  }
0x135: {  	_ =	swait.ge [sflag:s22], $0x4000  }
0x136: {  	[sflag:s22] =	ssyncset.done $0x0  }
0x137: {  	[sflag:s22] =	ssyncadd.s32 $0xFFFFC000  }
0x138: {  	[spmem:s1] =	stream.indirect.scatter.add.f32 [tilespmem:s14], [sflag:$0x5], $0x80, s29, s19, $0xb8;
	[tilespmem:$0x1D000] =	vst v63  }
0x139: {  	_ =	swait.ge [sflag:s15], $0x4000  }
0x13a: {  	[sflag:s15] =	ssyncset.done $0x0  }
0x13b: {  	[sflag:s15] =	ssyncadd.s32 $0xFFFFC000  }
0x13c: {  	[tilespmem:s14], [sflag:$0x3] =	stream.indirect.gather [hbm4b:s4+s19], $0x80, s30, s19, $0xb8;
	[tilespmem:$0x1D000] =	vst v63  }
0x13d: {  	_ =	swait.ge [sflag:s23], $0x4000  }
0x13e: {  	[sflag:s23] =	ssyncset.done $0x0  }
0x13f: {  	[sflag:s23] =	ssyncadd.s32 $0xFFFFC000  }
0x140: {  	[spmem:s1] =	stream.indirect.scatter.add.f32 [tilespmem:s21], [sflag:$0x5], $0x80, s31, s19, $0xb8;
	[tilespmem:$0x1D000] =	vst v63  }
0x141: {  	_ =	swait.ge [sflag:s15], $0x4000  }
0x142: {  	[sflag:s15] =	ssyncset.done $0x0  }
0x143: {  	[sflag:s15] =	ssyncadd.s32 $0xFFFFC000  }
0x144: {  	[tilespmem:s21], [sflag:$0x4] =	stream.indirect.gather [hbm4b:s4+s19], $0x80, s0, s19, $0xb8;
	[tilespmem:$0x1D000] =	vst v63  }
0x145: {  	_ =	swait.ge [sflag:s22], $0x4000  }
0x146: {  	[sflag:s22] =	ssyncset.done $0x0  }
0x147: {  	[sflag:s22] =	ssyncadd.s32 $0xFFFFC000  }
0x148: {  	[spmem:s1] =	stream.indirect.scatter.add.f32 [tilespmem:s14], [sflag:$0x5], $0x80, s2, s19, $0xb8;
	[tilespmem:$0x1D000] =	vst v63  }
0x149: {  	_ =	swait.ge [sflag:s15], $0x4000  }
0x14a: {  	[sflag:s15] =	ssyncset.done $0x0  }
0x14b: {  	[sflag:s15] =	ssyncadd.s32 $0xFFFFC000  }
0x14c: {  	[tilespmem:s14], [sflag:$0x3] =	stream.indirect.gather [hbm4b:s4+s19], $0x80, s6, s19, $0xb8;
	[tilespmem:$0x1D000] =	vst v63  }
0x14d: {  	_ =	swait.ge [sflag:s23], $0x4000  }
0x14e: {  	[sflag:s23] =	ssyncset.done $0x0  }
0x14f: {  	[sflag:s23] =	ssyncadd.s32 $0xFFFFC000  }
0x150: {  	[spmem:s1] =	stream.indirect.scatter.add.f32 [tilespmem:s21], [sflag:$0x5], $0x80, s7, s19, $0xb8;
	[tilespmem:$0x1D000] =	vst v63  }
0x151: {  	_ =	swait.ge [sflag:s15], $0x4000  }
0x152: {  	[sflag:s15] =	ssyncset.done $0x0  }
0x153: {  	[sflag:s15] =	ssyncadd.s32 $0xFFFFC000  }
0x154: {  	[tilespmem:s21], [sflag:$0x4] =	stream.indirect.gather [hbm4b:s4+s19], $0x80, s8, s19, $0xb8;
	[tilespmem:$0x1D000] =	vst v63  }
0x155: {  	_ =	swait.ge [sflag:s22], $0x4000  }
0x156: {  	[sflag:s22] =	ssyncset.done $0x0  }
0x157: {  	[sflag:s22] =	ssyncadd.s32 $0xFFFFC000  }
0x158: {  	[spmem:s1] =	stream.indirect.scatter.add.f32 [tilespmem:s14], [sflag:$0x5], $0x80, s9, s19, $0xb8;
	[tilespmem:$0x1D000] =	vst v63  }
0x159: {  	_ =	swait.ge [sflag:s15], $0x4000  }
0x15a: {  	[sflag:s15] =	ssyncset.done $0x0  }
0x15b: {  	[sflag:s15] =	ssyncadd.s32 $0xFFFFC000  }
0x15c: {  	_ =	swait.ge [sflag:s17], $0x800  }
0x15d: {  	[sflag:s17] =	ssyncset.done $0x0  }
0x15e: {  	[sflag:s17] =	ssyncadd.s32 $0xFFFFF800  }
0x15f: {  	[tilespmem:s14], [sflag:$0x3] =	stream.indirect.gather [hbm4b:s4+s19], $0x80, s16, s19, $0xb8;
	[tilespmem:$0x1D000] =	vst v63  }
0x160: {  	_ =	swait.ge [sflag:s23], $0x4000  }
0x161: {  	[sflag:s23] =	ssyncset.done $0x0  }
0x162: {  	p0 =	sne.s32 s13, $0x800;
	[sflag:s23] =	ssyncadd.s32 $0xFFFFC000  }
0x163: {  	[spmem:s1] =	stream.indirect.scatter.add.f32 [tilespmem:s21], [sflag:$0x5], $0x80, s11, s19, $0xb8;
	[tilespmem:$0x1D000] =	vst v63  }
.Ltmp1:
0x164: {  	_ = 	snop;
	(pc) =	sbr.rel @p0 .LBB2_4-.Ltmp1, $4  }
0x165: {  	_ =	swait.ge [sflag:s15], $0x4000  }
0x166: {  	[sflag:s15] =	ssyncset.done $0x0;
	s12 =	rddreg [dreg:$0x4]  }
0x167: {  	s13 =	sadd.s32 $0x200, s13;
	[sflag:s15] =	ssyncadd.s32 $0xFFFFC000;
	s10 =	sadd.s32 s10, s12  }
0x168: {  	[tilespmem:s21], [sflag:$0x4] =	stream.indirect.gather [hbm4b:s4+s19], $0x80, s20, s19, $0xb8;
	[tilespmem:$0x1D000] =	vst v63  }
0x169: {  	[tilespmem:s18], [sflag:$0x2] =	stream.linear.gather [hbm4b:s10+s3], $0x800, $0x38;
	[tilespmem:$0x1D000] =	vst v63  }
0x16a: {  	_ =	swait.ge [sflag:s22], $0x4000  }
0x16b: {  	[sflag:s22] =	ssyncset.done $0x0  }
0x16c: {  	[sflag:s22] =	ssyncadd.s32 $0xFFFFC000  }
0x16d: {  	_ =	swait.ge [sflag:s23], $0x4000  }
0x16e: {  	[sflag:s23] =	ssyncset.done $0x0  }
0x16f: {  	[sflag:s23] =	ssyncadd.s32 $0xFFFFC000  }
0x170: {  	_ =	swait.ge [sflag:s24], $0x800  }
0x171: {  	[sflag:s24] =	ssyncset.done $0x0  }
0x172: {  	[sflag:s24] =	ssyncadd.s32 $0xFFFFF800  }
0x173: {  	s5 =	stileid.u32;
	[bflag:$0x0] =	sbarrier.arrive $0xFFFF  }
0x174: {  	s5 =	sshll.u32 s5, $0x6;
	s12 =	rddreg [dreg:$0x16]  }
0x175: {  	s5 =	sor.u32 $0x1C05, s5;
	s13 =	rddreg [dreg:$0x1d];
	s10 =	sshrl.u32 s12, $0x3  }
0x176: {  	[hbm:s13], [sflag:s5] =	dma.local [spmem:s10], $0x2800  }
0x177: {  	_ =	swait.ge [sflag:s15], $0x2800  }
0x178: {  	s5 =	rddreg [dreg:$0x1f]  }
0x179: {  	s13 =	rddreg [dreg:$0x1e];
	s10 =	sadd.s32 $0x1, s5  }
0x17a: {  	p0 =	sne.s32 s10, s13  }
.Ltmp2:
0x17b: {  	_ = 	snop;
	(pc) =	sbr.rel @p0 .LBB2_1-.Ltmp2, $3  }
0x17c: {  	_ =	sdelay $0x1  }
0x17d: {  	[sflag:s15] =	ssyncset.done $0x0  }
0x17e: {  	[sflag:s15] =	ssyncadd.s32 $0xFFFFD800  }
0x17f: {  	_ =	sfence.sel $0x180000  }
0x180: {  	[bflag:$0x0] =	sbarrier.arrive $0xFFFF  }
0x181: {  	_ =	strace $0x9000004A  }
0x182: {  	s0 =	stileid.u32;
	[bflag:$0x2] =	sbarrier.arrive $0xFFFF  }
0x183: {  	p0 =	sne.s32 s0, $0x0;
	s0 =	rddreg [dreg:$0x3]  }
0x184: {  	s0 =	sadd.s32 @!p0 $0x100000, s0  }
0x185: {  	[sflag:s0] =	ssyncadd.tile.s32 @!p0 $0x1;
	_ =	shalt  }
.Lfunc_end2:
_tile_overlayer_lowered:
.L_overlay_start_2:
0x186: {  	(tag) =	ssettag $0x2  }
0x187: {  	s0 =	rddreg [dreg:$0x0];
	s2 =	stileid.u32  }
0x188: {  	s1 =	rddreg [dreg:$0x1];
	p0 =	sne.s32 s2, $0x0  }
0x189: {  	s3 =	rddreg [dreg:$0x2];
	[bflag:$0x3] =	sbarrier.arrive $0xFFFF;
	s2 =	simm.s32 @!p0 $0x1C05  }
0x18a: {  	[timem:s3], [sflag:s2] =	dma.local @!p0 [hbm:s0], s1  }
0x18b: {  	s0 =	simm.s32 @!p0 $0x5  }
0x18c: {  	_ =	swait.ge @!p0 [sflag:s0], s1  }
0x18d: {  	s1 =	ssub.s32 @!p0 $0x0, s1;
	[sflag:s0] =	ssyncset.done @!p0 $0x0  }
0x18e: {  	[sflag:s0] =	ssyncadd.s32 @!p0 s1  }
0x18f: {  	[bflag:$0x3] =	sbarrier.arrive $0xFFFF  }
0x190: {  	_ =	shalt  }

</sc_bundles>
